<compile_context>
chip_gen: v7x
topology: tpu7x:2x2x1
jax: 0.10.2.dev20260603
libtpu: 0.0.44.dev20260713+nightly
codegen_flags: <defaults>
</compile_context>

<pallas_src>
import functools

import jax
import jax.numpy as jnp
from jax import lax
from jax.experimental import pallas as pl
from jax.experimental.pallas import tpu as pltpu
from jax.experimental.pallas import tpu_sc as plsc

DIM = 33
TBL = DIM * DIM * DIM
TBL_PAD = 35944
NLUT = 3 * TBL_PAD
BINSIZE = 1.000001 / (DIM - 1)
INV_BIN = float(1.0 / BINSIZE)


def _pack_lut(lut):
  flat = lut.reshape(3, TBL)
  u = lax.bitcast_convert_type(flat, jnp.uint32).astype(jnp.int64)
  u = jnp.pad(u, ((0, 0), (0, 1)))
  u1 = u[:, 1:]
  rb1 = (u1 + 0x7FFF + ((u1 >> 16) & 1)) >> 16
  rb0 = jnp.clip((u[:, :-1] - rb1 + 0x8000) >> 16, 0, 0xFFFF)
  word = ((rb0 << 16) | rb1).astype(jnp.uint32)
  word = jnp.pad(word, ((0, 0), (0, TBL_PAD - TBL)))
  return lax.bitcast_convert_type(word, jnp.int32).reshape(-1)


@functools.lru_cache(maxsize=None)
def _build(n_batch, pixels):
  info = plsc.get_sparse_core_info()
  NC, NS, L = info.num_cores, info.num_subcores, info.num_lanes
  NW = NC * NS
  ppw = pixels // NW
  C = 1024
  steps = ppw // C
  T = n_batch * steps
  chan_stride = pixels
  batch_stride = 3 * pixels

  mesh = plsc.VectorSubcoreMesh(core_axis_name="c", subcore_axis_name="s")

  buf = lambda: pltpu.VMEM((C,), jnp.float32)

  @functools.partial(
      pl.kernel,
      mesh=mesh,
      compiler_params=pltpu.CompilerParams(needs_layout_passes=False),
      out_type=jax.ShapeDtypeStruct((n_batch * 3 * pixels,), jnp.float32),
      scratch_types=[
          pltpu.VMEM((NLUT,), jnp.int32),
          buf(), buf(), buf(), buf(), buf(), buf(),
          buf(), buf(), buf(), buf(), buf(), buf(),
          pltpu.SemaphoreType.DMA, pltpu.SemaphoreType.DMA,
          pltpu.SemaphoreType.DMA, pltpu.SemaphoreType.DMA,
      ],
  )
  def sc_kernel(lut_hbm, x_hbm, out_hbm, lut_v,
                rvA, gvA, bvA, rvB, gvB, bvB,
                orA, ogA, obA, orB, ogB, obB,
                siA, siB, soA, soB):
    wid = lax.axis_index("s") * NC + lax.axis_index("c")
    pltpu.sync_copy(lut_hbm, lut_v)
    base0 = wid * ppw

    def t_start(t):
      b = t // steps
      s = t - b * steps
      return b * batch_stride + base0 + s * C

    def issue_in(t, rv, gv, bv, sem):
      start = t_start(t)
      pltpu.async_copy(x_hbm.at[pl.ds(start, C)], rv, sem)
      pltpu.async_copy(x_hbm.at[pl.ds(start + chan_stride, C)], gv, sem)
      pltpu.async_copy(x_hbm.at[pl.ds(start + 2 * chan_stride, C)], bv, sem)

    def issue_out(t, orv, ogv, obv, sem):
      start = t_start(t)
      pltpu.async_copy(orv, out_hbm.at[pl.ds(start, C)], sem)
      pltpu.async_copy(ogv, out_hbm.at[pl.ds(start + chan_stride, C)], sem)
      pltpu.async_copy(obv, out_hbm.at[pl.ds(start + 2 * chan_stride, C)], sem)

    def drain3(sem, dst):
      for _ in range(3):
        pltpu.make_async_copy(x_hbm.at[pl.ds(0, C)], dst, sem).wait()

    def compute(rv, gv, bv, orv, ogv, obv):
      def vec(i, c2):
        off = i * L
        rs = rv[pl.ds(off, L)] * INV_BIN
        gs = gv[pl.ds(off, L)] * INV_BIN
        bs = bv[pl.ds(off, L)] * INV_BIN
        ri = rs.astype(jnp.int32)
        gi = gs.astype(jnp.int32)
        bi = bs.astype(jnp.int32)
        rd = rs - ri.astype(jnp.float32)
        gd = gs - gi.astype(jnp.float32)
        bd = bs - bi.astype(jnp.float32)
        gd1 = 1.0 - gd
        bd1 = 1.0 - bd
        w = (gd1 * bd1, gd * bd1, gd1 * bd, gd * bd)
        base = ri + gi * DIM + bi * (DIM * DIM)
        offs = (0, DIM, DIM * DIM, DIM * DIM + DIM)
        pk = [plsc.load_gather(lut_v, [base + (c * TBL_PAD + o)])
              for c in range(3) for o in offs]
        lo = [plsc.bitcast(q, jnp.float32) for q in pk]
        hi = [plsc.bitcast(q << 16, jnp.float32) for q in pk]
        res = []
        for c in range(3):
          j = 4 * c
          a = ((w[0] * lo[j] + w[1] * lo[j + 1])
               + (w[2] * lo[j + 2] + w[3] * lo[j + 3]))
          b = ((w[0] * hi[j] + w[1] * hi[j + 1])
               + (w[2] * hi[j + 2] + w[3] * hi[j + 3]))
          res.append(a + rd * (b - a))
        orv[pl.ds(off, L)] = res[0]
        ogv[pl.ds(off, L)] = res[1]
        obv[pl.ds(off, L)] = res[2]
        return c2

      lax.fori_loop(0, C // L, vec, 0)

    issue_in(0, rvA, gvA, bvA, siA)
    issue_in(1, rvB, gvB, bvB, siB)

    def body(k, carry):
      tA = 2 * k
      tB = 2 * k + 1

      drain3(siA, rvA)
      @pl.when(k > 0)
      def _():
        drain3(soA, orA)
      compute(rvA, gvA, bvA, orA, ogA, obA)
      issue_out(tA, orA, ogA, obA, soA)
      @pl.when(tA + 2 < T)
      def _():
        issue_in(tA + 2, rvA, gvA, bvA, siA)

      drain3(siB, rvB)
      @pl.when(k > 0)
      def _():
        drain3(soB, orB)
      compute(rvB, gvB, bvB, orB, ogB, obB)
      issue_out(tB, orB, ogB, obB, soB)
      @pl.when(tB + 2 < T)
      def _():
        issue_in(tB + 2, rvB, gvB, bvB, siB)
      return carry

    lax.fori_loop(0, T // 2, body, 0)
    drain3(soA, orA)
    drain3(soB, orB)

  return sc_kernel


def kernel(lut_count, lut, x):
  n_batch = x.shape[0]
  pixels = x.shape[2] * x.shape[3]
  fn = _build(n_batch, pixels)
  out = fn(_pack_lut(lut), x.reshape(-1))
  return (lut, out.reshape(x.shape))

# --- scband reference (transcript-rebuilt; emitter-appended) ---
"""Pipeline reference for scband-trilinear-interpolation-52501680226537 (READ-ONLY COPY).

The authoritative reference and input builder live on the scoring server;
editing this copy changes nothing except your own understanding.
"""

import jax, jax.numpy as jnp
import numpy as np


def setup_inputs(seed: int = 0) -> dict:
    key = jax.random.key(seed)
    k1, k2 = jax.random.split(key, 2)
    dim = 33
    lut_count = jnp.zeros((dim, dim, dim), dtype=jnp.float32)
    lut = jax.random.uniform(k1, (3, dim, dim, dim), dtype=jnp.float32)
    x = jax.random.uniform(k2, (8, 3, 512, 512), dtype=jnp.float32)
    return {"lut_count": lut_count, "lut": lut, "x": x}


def _trilinear(lut, x):
    # Faithful port of the trilinear CUDA kernel from Image-Adaptive-3DLUT.
    # lut: [3, dim, dim, dim], x: [batch, 3, W, H] with values in [0, 1).
    dim = lut.shape[-1]
    binsize = 1.000001 / (dim - 1)
    r = x[:, 0]
    g = x[:, 1]
    b = x[:, 2]
    r_id = jnp.floor(r / binsize).astype(jnp.int32)
    g_id = jnp.floor(g / binsize).astype(jnp.int32)
    b_id = jnp.floor(b / binsize).astype(jnp.int32)
    r_d = r / binsize - r_id.astype(x.dtype)
    g_d = g / binsize - g_id.astype(x.dtype)
    b_d = b / binsize - b_id.astype(x.dtype)
    # flat lattice index: id = r + g*dim + b*dim*dim (per CUDA kernel convention)
    id000 = r_id + g_id * dim + b_id * dim * dim
    id100 = (r_id + 1) + g_id * dim + b_id * dim * dim
    id010 = r_id + (g_id + 1) * dim + b_id * dim * dim
    id110 = (r_id + 1) + (g_id + 1) * dim + b_id * dim * dim
    id001 = r_id + g_id * dim + (b_id + 1) * dim * dim
    id101 = (r_id + 1) + g_id * dim + (b_id + 1) * dim * dim
    id011 = r_id + (g_id + 1) * dim + (b_id + 1) * dim * dim
    id111 = (r_id + 1) + (g_id + 1) * dim + (b_id + 1) * dim * dim
    w000 = (1 - r_d) * (1 - g_d) * (1 - b_d)
    w100 = r_d * (1 - g_d) * (1 - b_d)
    w010 = (1 - r_d) * g_d * (1 - b_d)
    w110 = r_d * g_d * (1 - b_d)
    w001 = (1 - r_d) * (1 - g_d) * b_d
    w101 = r_d * (1 - g_d) * b_d
    w011 = (1 - r_d) * g_d * b_d
    w111 = r_d * g_d * b_d
    lut_flat = lut.reshape(3, -1)
    outs = []
    for c in range(3):
        tbl = lut_flat[c]
        oc = (w000 * jnp.take(tbl, id000, axis=0)
              + w100 * jnp.take(tbl, id100, axis=0)
              + w010 * jnp.take(tbl, id010, axis=0)
              + w110 * jnp.take(tbl, id110, axis=0)
              + w001 * jnp.take(tbl, id001, axis=0)
              + w101 * jnp.take(tbl, id101, axis=0)
              + w011 * jnp.take(tbl, id011, axis=0)
              + w111 * jnp.take(tbl, id111, axis=0))
        outs.append(oc)
    return jnp.stack(outs, axis=1)


def reference(lut_count, lut, x):
    # The autograd Function returns (lut, output); lut_count is a usage-counter
    # buffer updated in-place by the CUDA kernel and does not affect the math.
    output = _trilinear(lut, x)
    return (lut, output)

if __name__ == "__main__":
    import jax
    _d = setup_inputs()
    print(jax.jit(kernel)(*tuple(_d.values())))

</pallas_src>

<mosaic_0001>
#map = affine_map<(d0, d1) -> (0)>
module attributes {stable_mosaic.version = 14 : i64} {
  func.func @sc_kernel(%arg0: i32, %arg1: i32, %arg2: memref<107832xi32, #tpu.memory_space<hbm>>, %arg3: memref<6291456xf32, #tpu.memory_space<hbm>>, %arg4: memref<6291456xf32, #tpu.memory_space<hbm>>, %arg5: memref<107832xi32, #tpu.memory_space<vmem>>, %arg6: memref<1024xf32, #tpu.memory_space<vmem>>, %arg7: memref<1024xf32, #tpu.memory_space<vmem>>, %arg8: memref<1024xf32, #tpu.memory_space<vmem>>, %arg9: memref<1024xf32, #tpu.memory_space<vmem>>, %arg10: memref<1024xf32, #tpu.memory_space<vmem>>, %arg11: memref<1024xf32, #tpu.memory_space<vmem>>, %arg12: memref<1024xf32, #tpu.memory_space<vmem>>, %arg13: memref<1024xf32, #tpu.memory_space<vmem>>, %arg14: memref<1024xf32, #tpu.memory_space<vmem>>, %arg15: memref<1024xf32, #tpu.memory_space<vmem>>, %arg16: memref<1024xf32, #tpu.memory_space<vmem>>, %arg17: memref<1024xf32, #tpu.memory_space<vmem>>, %arg18: memref<!tpu.dma_semaphore, #tpu.memory_space<semaphore_mem>>, %arg19: memref<!tpu.dma_semaphore, #tpu.memory_space<semaphore_mem>>, %arg20: memref<!tpu.dma_semaphore, #tpu.memory_space<semaphore_mem>>, %arg21: memref<!tpu.dma_semaphore, #tpu.memory_space<semaphore_mem>>) attributes {dimension_semantics = [#tpu.dimension_semantics<core_parallel>, #tpu.dimension_semantics<subcore_parallel>], iteration_bounds = array<i64: 2, 16>, scalar_prefetch = 0 : i64, scratch_operands = 17 : i64, tpu.core_type = #tpu.core_type<sc_vector_subcore>, window_params = [{transform_indices = #map}, {transform_indices = #map}, {transform_indices = #map}]} {
    %mul3A = arith.constant 2 : i32
    %mul3A_0 = arith.muli %arg1, %mul3A : i32
    %add3A = arith.addi %mul3A_0, %arg0 : i32
    "tpu.region"() ({
      %run_scoped3A = tpu.sem_alloc : memref<!tpu.dma_semaphore, #tpu.memory_space<semaphore_mem>>
      tpu.enqueue_dma source(%arg2 : memref<107832xi32, #tpu.memory_space<hbm>>) target(%arg5 : memref<107832xi32, #tpu.memory_space<vmem>>) target_semaphore(%run_scoped3A : memref<!tpu.dma_semaphore, #tpu.memory_space<semaphore_mem>>)
      tpu.wait_dma2 semaphore(%run_scoped3A : memref<!tpu.dma_semaphore, #tpu.memory_space<semaphore_mem>>) src(%arg2 : memref<107832xi32, #tpu.memory_space<hbm>>) dst(%arg5 : memref<107832xi32, #tpu.memory_space<vmem>>)
      tpu.yield
    }) : () -> ()
    %mul3A_1 = arith.constant 8192 : i32
    %mul3A_2 = arith.muli %add3A, %mul3A_1 : i32
    %add3A_3 = arith.constant 0 : i32
    %add3A_4 = arith.addi %add3A_3, %mul3A_2 : i32
    %add3A_5 = arith.constant 0 : i32
    %add3A_6 = arith.addi %add3A_4, %add3A_5 : i32
    %dma_start3A = tpu.memref_slice %arg3[%add3A_6] : memref<6291456xf32, #tpu.memory_space<hbm>> -> memref<1024xf32, #tpu.memory_space<hbm>>
    %dma_start3A_7 = tpu.memref_slice %arg3[%add3A_6] : memref<6291456xf32, #tpu.memory_space<hbm>> -> memref<1024xf32, #tpu.memory_space<hbm>>
    tpu.enqueue_dma source(%dma_start3A_7 : memref<1024xf32, #tpu.memory_space<hbm>>) target(%arg6 : memref<1024xf32, #tpu.memory_space<vmem>>) target_semaphore(%arg18 : memref<!tpu.dma_semaphore, #tpu.memory_space<semaphore_mem>>)
    %add3A_8 = arith.constant 262144 : i32
    %add3A_9 = arith.addi %add3A_6, %add3A_8 : i32
    %dma_start3A_10 = tpu.memref_slice %arg3[%add3A_9] : memref<6291456xf32, #tpu.memory_space<hbm>> -> memref<1024xf32, #tpu.memory_space<hbm>>
    %dma_start3A_11 = tpu.memref_slice %arg3[%add3A_9] : memref<6291456xf32, #tpu.memory_space<hbm>> -> memref<1024xf32, #tpu.memory_space<hbm>>
    tpu.enqueue_dma source(%dma_start3A_11 : memref<1024xf32, #tpu.memory_space<hbm>>) target(%arg7 : memref<1024xf32, #tpu.memory_space<vmem>>) target_semaphore(%arg18 : memref<!tpu.dma_semaphore, #tpu.memory_space<semaphore_mem>>)
    %add3A_12 = arith.constant 524288 : i32
    %add3A_13 = arith.addi %add3A_6, %add3A_12 : i32
    %dma_start3A_14 = tpu.memref_slice %arg3[%add3A_13] : memref<6291456xf32, #tpu.memory_space<hbm>> -> memref<1024xf32, #tpu.memory_space<hbm>>
    %dma_start3A_15 = tpu.memref_slice %arg3[%add3A_13] : memref<6291456xf32, #tpu.memory_space<hbm>> -> memref<1024xf32, #tpu.memory_space<hbm>>
    tpu.enqueue_dma source(%dma_start3A_15 : memref<1024xf32, #tpu.memory_space<hbm>>) target(%arg8 : memref<1024xf32, #tpu.memory_space<vmem>>) target_semaphore(%arg18 : memref<!tpu.dma_semaphore, #tpu.memory_space<semaphore_mem>>)
    %add3A_16 = arith.constant 0 : i32
    %add3A_17 = arith.addi %add3A_16, %mul3A_2 : i32
    %add3A_18 = arith.constant 1024 : i32
    %add3A_19 = arith.addi %add3A_17, %add3A_18 : i32
    %dma_start3A_20 = tpu.memref_slice %arg3[%add3A_19] : memref<6291456xf32, #tpu.memory_space<hbm>> -> memref<1024xf32, #tpu.memory_space<hbm>>
    %dma_start3A_21 = tpu.memref_slice %arg3[%add3A_19] : memref<6291456xf32, #tpu.memory_space<hbm>> -> memref<1024xf32, #tpu.memory_space<hbm>>
    tpu.enqueue_dma source(%dma_start3A_21 : memref<1024xf32, #tpu.memory_space<hbm>>) target(%arg9 : memref<1024xf32, #tpu.memory_space<vmem>>) target_semaphore(%arg19 : memref<!tpu.dma_semaphore, #tpu.memory_space<semaphore_mem>>)
    %add3A_22 = arith.constant 262144 : i32
    %add3A_23 = arith.addi %add3A_19, %add3A_22 : i32
    %dma_start3A_24 = tpu.memref_slice %arg3[%add3A_23] : memref<6291456xf32, #tpu.memory_space<hbm>> -> memref<1024xf32, #tpu.memory_space<hbm>>
    %dma_start3A_25 = tpu.memref_slice %arg3[%add3A_23] : memref<6291456xf32, #tpu.memory_space<hbm>> -> memref<1024xf32, #tpu.memory_space<hbm>>
    tpu.enqueue_dma source(%dma_start3A_25 : memref<1024xf32, #tpu.memory_space<hbm>>) target(%arg10 : memref<1024xf32, #tpu.memory_space<vmem>>) target_semaphore(%arg19 : memref<!tpu.dma_semaphore, #tpu.memory_space<semaphore_mem>>)
    %add3A_26 = arith.constant 524288 : i32
    %add3A_27 = arith.addi %add3A_19, %add3A_26 : i32
    %dma_start3A_28 = tpu.memref_slice %arg3[%add3A_27] : memref<6291456xf32, #tpu.memory_space<hbm>> -> memref<1024xf32, #tpu.memory_space<hbm>>
    %dma_start3A_29 = tpu.memref_slice %arg3[%add3A_27] : memref<6291456xf32, #tpu.memory_space<hbm>> -> memref<1024xf32, #tpu.memory_space<hbm>>
    tpu.enqueue_dma source(%dma_start3A_29 : memref<1024xf32, #tpu.memory_space<hbm>>) target(%arg11 : memref<1024xf32, #tpu.memory_space<vmem>>) target_semaphore(%arg19 : memref<!tpu.dma_semaphore, #tpu.memory_space<semaphore_mem>>)
    %scan3A = arith.constant 0 : i32
    %scan3A_30 = arith.constant 0 : i32
    %scan3A_31 = arith.constant 32 : i32
    %scan3A_32 = arith.addi %scan3A_30, %scan3A_31 : i32
    %scan3A_33 = arith.constant 1 : i32
    scf.for %scan3A_58 = %scan3A_30 to %scan3A_32 step %scan3A_33  : i32 {
      %mul3A_59 = arith.constant 2 : i32
      %mul3A_60 = arith.muli %mul3A_59, %scan3A_58 : i32
      %mul3A_61 = arith.constant 2 : i32
      %mul3A_62 = arith.muli %mul3A_61, %scan3A_58 : i32
      %add3A_63 = arith.constant 1 : i32
      %add3A_64 = arith.addi %mul3A_62, %add3A_63 : i32
      %dma_wait3A_65 = arith.constant 0 : i32
      %dma_wait3A_66 = tpu.memref_slice %arg3[%dma_wait3A_65] : memref<6291456xf32, #tpu.memory_space<hbm>> -> memref<1024xf32, #tpu.memory_space<hbm>>
      %dma_wait3A_67 = arith.constant 0 : i32
      %dma_wait3A_68 = tpu.memref_slice %arg3[%dma_wait3A_67] : memref<6291456xf32, #tpu.memory_space<hbm>> -> memref<1024xf32, #tpu.memory_space<hbm>>
      tpu.wait_dma2 semaphore(%arg18 : memref<!tpu.dma_semaphore, #tpu.memory_space<semaphore_mem>>) src(%dma_wait3A_68 : memref<1024xf32, #tpu.memory_space<hbm>>) dst(%arg6 : memref<1024xf32, #tpu.memory_space<vmem>>)
      %dma_wait3A_69 = arith.constant 0 : i32
      %dma_wait3A_70 = tpu.memref_slice %arg3[%dma_wait3A_69] : memref<6291456xf32, #tpu.memory_space<hbm>> -> memref<1024xf32, #tpu.memory_space<hbm>>
      %dma_wait3A_71 = arith.constant 0 : i32
      %dma_wait3A_72 = tpu.memref_slice %arg3[%dma_wait3A_71] : memref<6291456xf32, #tpu.memory_space<hbm>> -> memref<1024xf32, #tpu.memory_space<hbm>>
      tpu.wait_dma2 semaphore(%arg18 : memref<!tpu.dma_semaphore, #tpu.memory_space<semaphore_mem>>) src(%dma_wait3A_72 : memref<1024xf32, #tpu.memory_space<hbm>>) dst(%arg6 : memref<1024xf32, #tpu.memory_space<vmem>>)
      %dma_wait3A_73 = arith.constant 0 : i32
      %dma_wait3A_74 = tpu.memref_slice %arg3[%dma_wait3A_73] : memref<6291456xf32, #tpu.memory_space<hbm>> -> memref<1024xf32, #tpu.memory_space<hbm>>
      %dma_wait3A_75 = arith.constant 0 : i32
      %dma_wait3A_76 = tpu.memref_slice %arg3[%dma_wait3A_75] : memref<6291456xf32, #tpu.memory_space<hbm>> -> memref<1024xf32, #tpu.memory_space<hbm>>
      tpu.wait_dma2 semaphore(%arg18 : memref<!tpu.dma_semaphore, #tpu.memory_space<semaphore_mem>>) src(%dma_wait3A_76 : memref<1024xf32, #tpu.memory_space<hbm>>) dst(%arg6 : memref<1024xf32, #tpu.memory_space<vmem>>)
      %gt3A = arith.constant 0 : i32
      %gt3A_77 = arith.cmpi sgt, %scan3A_58, %gt3A : i32
      %convert_element_type3A = arith.extui %gt3A_77 : i1 to i32
      %cond3A = arith.constant 0 : i32
      %cond3A_78 = arith.cmpi ne, %convert_element_type3A, %cond3A : i32
      scf.if %cond3A_78 {
        %dma_wait3A_199 = arith.constant 0 : i32
        %dma_wait3A_200 = tpu.memref_slice %arg3[%dma_wait3A_199] : memref<6291456xf32, #tpu.memory_space<hbm>> -> memref<1024xf32, #tpu.memory_space<hbm>>
        %dma_wait3A_201 = arith.constant 0 : i32
        %dma_wait3A_202 = tpu.memref_slice %arg3[%dma_wait3A_201] : memref<6291456xf32, #tpu.memory_space<hbm>> -> memref<1024xf32, #tpu.memory_space<hbm>>
        tpu.wait_dma2 semaphore(%arg20 : memref<!tpu.dma_semaphore, #tpu.memory_space<semaphore_mem>>) src(%dma_wait3A_202 : memref<1024xf32, #tpu.memory_space<hbm>>) dst(%arg12 : memref<1024xf32, #tpu.memory_space<vmem>>)
        %dma_wait3A_203 = arith.constant 0 : i32
        %dma_wait3A_204 = tpu.memref_slice %arg3[%dma_wait3A_203] : memref<6291456xf32, #tpu.memory_space<hbm>> -> memref<1024xf32, #tpu.memory_space<hbm>>
        %dma_wait3A_205 = arith.constant 0 : i32
        %dma_wait3A_206 = tpu.memref_slice %arg3[%dma_wait3A_205] : memref<6291456xf32, #tpu.memory_space<hbm>> -> memref<1024xf32, #tpu.memory_space<hbm>>
        tpu.wait_dma2 semaphore(%arg20 : memref<!tpu.dma_semaphore, #tpu.memory_space<semaphore_mem>>) src(%dma_wait3A_206 : memref<1024xf32, #tpu.memory_space<hbm>>) dst(%arg12 : memref<1024xf32, #tpu.memory_space<vmem>>)
        %dma_wait3A_207 = arith.constant 0 : i32
        %dma_wait3A_208 = tpu.memref_slice %arg3[%dma_wait3A_207] : memref<6291456xf32, #tpu.memory_space<hbm>> -> memref<1024xf32, #tpu.memory_space<hbm>>
        %dma_wait3A_209 = arith.constant 0 : i32
        %dma_wait3A_210 = tpu.memref_slice %arg3[%dma_wait3A_209] : memref<6291456xf32, #tpu.memory_space<hbm>> -> memref<1024xf32, #tpu.memory_space<hbm>>
        tpu.wait_dma2 semaphore(%arg20 : memref<!tpu.dma_semaphore, #tpu.memory_space<semaphore_mem>>) src(%dma_wait3A_210 : memref<1024xf32, #tpu.memory_space<hbm>>) dst(%arg12 : memref<1024xf32, #tpu.memory_space<vmem>>)
      } else {
      }
      %scan3A_79 = arith.constant 0 : i32
      %scan3A_80 = arith.constant 0 : i32
      %scan3A_81 = arith.constant 64 : i32
      %scan3A_82 = arith.addi %scan3A_80, %scan3A_81 : i32
      %scan3A_83 = arith.constant 1 : i32
      scf.for %scan3A_199 = %scan3A_80 to %scan3A_82 step %scan3A_83  : i32 {
        %mul3A_200 = arith.constant 16 : i32
        %mul3A_201 = arith.muli %scan3A_199, %mul3A_200 : i32
        %get3A = arith.index_cast %mul3A_201 : i32 to index
        %get3A_202 = tpu.vector_load %arg6[%get3A] {strides = array<i32>} : memref<1024xf32, #tpu.memory_space<vmem>>, vector<16xf32>,
        %mul3A_203 = arith.constant 31.9999676 : f32
        %mul3A_204 = vector.broadcast %mul3A_203 : f32 to vector<16xf32>
        %mul3A_205 = arith.mulf %get3A_202, %mul3A_204 : vector<16xf32>
        %get3A_206 = arith.index_cast %mul3A_201 : i32 to index
        %get3A_207 = tpu.vector_load %arg7[%get3A_206] {strides = array<i32>} : memref<1024xf32, #tpu.memory_space<vmem>>, vector<16xf32>,
        %mul3A_208 = arith.constant 31.9999676 : f32
        %mul3A_209 = vector.broadcast %mul3A_208 : f32 to vector<16xf32>
        %mul3A_210 = arith.mulf %get3A_207, %mul3A_209 : vector<16xf32>
        %get3A_211 = arith.index_cast %mul3A_201 : i32 to index
        %get3A_212 = tpu.vector_load %arg8[%get3A_211] {strides = array<i32>} : memref<1024xf32, #tpu.memory_space<vmem>>, vector<16xf32>,
        %mul3A_213 = arith.constant 31.9999676 : f32
        %mul3A_214 = vector.broadcast %mul3A_213 : f32 to vector<16xf32>
        %mul3A_215 = arith.mulf %get3A_212, %mul3A_214 : vector<16xf32>
        %convert_element_type3A_216 = arith.fptosi %mul3A_205 : vector<16xf32> to vector<16xi32>
        %convert_element_type3A_217 = arith.fptosi %mul3A_210 : vector<16xf32> to vector<16xi32>
        %convert_element_type3A_218 = arith.fptosi %mul3A_215 : vector<16xf32> to vector<16xi32>
        %convert_element_type3A_219 = arith.sitofp %convert_element_type3A_216 : vector<16xi32> to vector<16xf32>
        %sub3A_220 = arith.subf %mul3A_205, %convert_element_type3A_219 : vector<16xf32>
        %convert_element_type3A_221 = arith.sitofp %convert_element_type3A_217 : vector<16xi32> to vector<16xf32>
        %sub3A_222 = arith.subf %mul3A_210, %convert_element_type3A_221 : vector<16xf32>
        %convert_element_type3A_223 = arith.sitofp %convert_element_type3A_218 : vector<16xi32> to vector<16xf32>
        %sub3A_224 = arith.subf %mul3A_215, %convert_element_type3A_223 : vector<16xf32>
        %sub3A_225 = arith.constant 1.000000e+00 : f32
        %sub3A_226 = vector.broadcast %sub3A_225 : f32 to vector<16xf32>
        %sub3A_227 = arith.subf %sub3A_226, %sub3A_222 : vector<16xf32>
        %sub3A_228 = arith.constant 1.000000e+00 : f32
        %sub3A_229 = vector.broadcast %sub3A_228 : f32 to vector<16xf32>
        %sub3A_230 = arith.subf %sub3A_229, %sub3A_224 : vector<16xf32>
        %mul3A_231 = arith.mulf %sub3A_227, %sub3A_230 : vector<16xf32>
        %mul3A_232 = arith.mulf %sub3A_222, %sub3A_230 : vector<16xf32>
        %mul3A_233 = arith.mulf %sub3A_227, %sub3A_224 : vector<16xf32>
        %mul3A_234 = arith.mulf %sub3A_222, %sub3A_224 : vector<16xf32>
        %mul3A_235 = arith.constant 33 : i32
        %mul3A_236 = vector.broadcast %mul3A_235 : i32 to vector<16xi32>
        %mul3A_237 = arith.muli %convert_element_type3A_217, %mul3A_236 : vector<16xi32>
        %add3A_238 = arith.addi %convert_element_type3A_216, %mul3A_237 : vector<16xi32>
        %mul3A_239 = arith.constant 1089 : i32
        %mul3A_240 = vector.broadcast %mul3A_239 : i32 to vector<16xi32>
        %mul3A_241 = arith.muli %convert_element_type3A_218, %mul3A_240 : vector<16xi32>
        %add3A_242 = arith.addi %add3A_238, %mul3A_241 : vector<16xi32>
        %add3A_243 = arith.constant 0 : i32
        %add3A_244 = vector.broadcast %add3A_243 : i32 to vector<16xi32>
        %add3A_245 = arith.addi %add3A_242, %add3A_244 : vector<16xi32>
        %gather3A = tpu.vector_load_idx %arg5[%add3A_245] : memref<107832xi32, #tpu.memory_space<vmem>>[vector<16xi32>], vector<16xi32>,
        %add3A_246 = arith.constant 33 : i32
        %add3A_247 = vector.broadcast %add3A_246 : i32 to vector<16xi32>
        %add3A_248 = arith.addi %add3A_242, %add3A_247 : vector<16xi32>
        %gather3A_249 = tpu.vector_load_idx %arg5[%add3A_248] : memref<107832xi32, #tpu.memory_space<vmem>>[vector<16xi32>], vector<16xi32>,
        %add3A_250 = arith.constant 1089 : i32
        %add3A_251 = vector.broadcast %add3A_250 : i32 to vector<16xi32>
        %add3A_252 = arith.addi %add3A_242, %add3A_251 : vector<16xi32>
        %gather3A_253 = tpu.vector_load_idx %arg5[%add3A_252] : memref<107832xi32, #tpu.memory_space<vmem>>[vector<16xi32>], vector<16xi32>,
        %add3A_254 = arith.constant 1122 : i32
        %add3A_255 = vector.broadcast %add3A_254 : i32 to vector<16xi32>
        %add3A_256 = arith.addi %add3A_242, %add3A_255 : vector<16xi32>
        %gather3A_257 = tpu.vector_load_idx %arg5[%add3A_256] : memref<107832xi32, #tpu.memory_space<vmem>>[vector<16xi32>], vector<16xi32>,
        %add3A_258 = arith.constant 35944 : i32
        %add3A_259 = vector.broadcast %add3A_258 : i32 to vector<16xi32>
        %add3A_260 = arith.addi %add3A_242, %add3A_259 : vector<16xi32>
        %gather3A_261 = tpu.vector_load_idx %arg5[%add3A_260] : memref<107832xi32, #tpu.memory_space<vmem>>[vector<16xi32>], vector<16xi32>,
        %add3A_262 = arith.constant 35977 : i32
        %add3A_263 = vector.broadcast %add3A_262 : i32 to vector<16xi32>
        %add3A_264 = arith.addi %add3A_242, %add3A_263 : vector<16xi32>
        %gather3A_265 = tpu.vector_load_idx %arg5[%add3A_264] : memref<107832xi32, #tpu.memory_space<vmem>>[vector<16xi32>], vector<16xi32>,
        %add3A_266 = arith.constant 37033 : i32
        %add3A_267 = vector.broadcast %add3A_266 : i32 to vector<16xi32>
        %add3A_268 = arith.addi %add3A_242, %add3A_267 : vector<16xi32>
        %gather3A_269 = tpu.vector_load_idx %arg5[%add3A_268] : memref<107832xi32, #tpu.memory_space<vmem>>[vector<16xi32>], vector<16xi32>,
        %add3A_270 = arith.constant 37066 : i32
        %add3A_271 = vector.broadcast %add3A_270 : i32 to vector<16xi32>
        %add3A_272 = arith.addi %add3A_242, %add3A_271 : vector<16xi32>
        %gather3A_273 = tpu.vector_load_idx %arg5[%add3A_272] : memref<107832xi32, #tpu.memory_space<vmem>>[vector<16xi32>], vector<16xi32>,
        %add3A_274 = arith.constant 71888 : i32
        %add3A_275 = vector.broadcast %add3A_274 : i32 to vector<16xi32>
        %add3A_276 = arith.addi %add3A_242, %add3A_275 : vector<16xi32>
        %gather3A_277 = tpu.vector_load_idx %arg5[%add3A_276] : memref<107832xi32, #tpu.memory_space<vmem>>[vector<16xi32>], vector<16xi32>,
        %add3A_278 = arith.constant 71921 : i32
        %add3A_279 = vector.broadcast %add3A_278 : i32 to vector<16xi32>
        %add3A_280 = arith.addi %add3A_242, %add3A_279 : vector<16xi32>
        %gather3A_281 = tpu.vector_load_idx %arg5[%add3A_280] : memref<107832xi32, #tpu.memory_space<vmem>>[vector<16xi32>], vector<16xi32>,
        %add3A_282 = arith.constant 72977 : i32
        %add3A_283 = vector.broadcast %add3A_282 : i32 to vector<16xi32>
        %add3A_284 = arith.addi %add3A_242, %add3A_283 : vector<16xi32>
        %gather3A_285 = tpu.vector_load_idx %arg5[%add3A_284] : memref<107832xi32, #tpu.memory_space<vmem>>[vector<16xi32>], vector<16xi32>,
        %add3A_286 = arith.constant 73010 : i32
        %add3A_287 = vector.broadcast %add3A_286 : i32 to vector<16xi32>
        %add3A_288 = arith.addi %add3A_242, %add3A_287 : vector<16xi32>
        %gather3A_289 = tpu.vector_load_idx %arg5[%add3A_288] : memref<107832xi32, #tpu.memory_space<vmem>>[vector<16xi32>], vector<16xi32>,
        %bitcast3A = vector.bitcast %gather3A : vector<16xi32> to vector<16xf32>
        %bitcast3A_290 = vector.bitcast %gather3A_249 : vector<16xi32> to vector<16xf32>
        %bitcast3A_291 = vector.bitcast %gather3A_253 : vector<16xi32> to vector<16xf32>
        %bitcast3A_292 = vector.bitcast %gather3A_257 : vector<16xi32> to vector<16xf32>
        %bitcast3A_293 = vector.bitcast %gather3A_261 : vector<16xi32> to vector<16xf32>
        %bitcast3A_294 = vector.bitcast %gather3A_265 : vector<16xi32> to vector<16xf32>
        %bitcast3A_295 = vector.bitcast %gather3A_269 : vector<16xi32> to vector<16xf32>
        %bitcast3A_296 = vector.bitcast %gather3A_273 : vector<16xi32> to vector<16xf32>
        %bitcast3A_297 = vector.bitcast %gather3A_277 : vector<16xi32> to vector<16xf32>
        %bitcast3A_298 = vector.bitcast %gather3A_281 : vector<16xi32> to vector<16xf32>
        %bitcast3A_299 = vector.bitcast %gather3A_285 : vector<16xi32> to vector<16xf32>
        %bitcast3A_300 = vector.bitcast %gather3A_289 : vector<16xi32> to vector<16xf32>
        %shift_left3A = arith.constant 16 : i32
        %shift_left3A_301 = vector.broadcast %shift_left3A : i32 to vector<16xi32>
        %shift_left3A_302 = arith.shli %gather3A, %shift_left3A_301 : vector<16xi32>
        %bitcast3A_303 = vector.bitcast %shift_left3A_302 : vector<16xi32> to vector<16xf32>
        %shift_left3A_304 = arith.constant 16 : i32
        %shift_left3A_305 = vector.broadcast %shift_left3A_304 : i32 to vector<16xi32>
        %shift_left3A_306 = arith.shli %gather3A_249, %shift_left3A_305 : vector<16xi32>
        %bitcast3A_307 = vector.bitcast %shift_left3A_306 : vector<16xi32> to vector<16xf32>
        %shift_left3A_308 = arith.constant 16 : i32
        %shift_left3A_309 = vector.broadcast %shift_left3A_308 : i32 to vector<16xi32>
        %shift_left3A_310 = arith.shli %gather3A_253, %shift_left3A_309 : vector<16xi32>
        %bitcast3A_311 = vector.bitcast %shift_left3A_310 : vector<16xi32> to vector<16xf32>
        %shift_left3A_312 = arith.constant 16 : i32
        %shift_left3A_313 = vector.broadcast %shift_left3A_312 : i32 to vector<16xi32>
        %shift_left3A_314 = arith.shli %gather3A_257, %shift_left3A_313 : vector<16xi32>
        %bitcast3A_315 = vector.bitcast %shift_left3A_314 : vector<16xi32> to vector<16xf32>
        %shift_left3A_316 = arith.constant 16 : i32
        %shift_left3A_317 = vector.broadcast %shift_left3A_316 : i32 to vector<16xi32>
        %shift_left3A_318 = arith.shli %gather3A_261, %shift_left3A_317 : vector<16xi32>
        %bitcast3A_319 = vector.bitcast %shift_left3A_318 : vector<16xi32> to vector<16xf32>
        %shift_left3A_320 = arith.constant 16 : i32
        %shift_left3A_321 = vector.broadcast %shift_left3A_320 : i32 to vector<16xi32>
        %shift_left3A_322 = arith.shli %gather3A_265, %shift_left3A_321 : vector<16xi32>
        %bitcast3A_323 = vector.bitcast %shift_left3A_322 : vector<16xi32> to vector<16xf32>
        %shift_left3A_324 = arith.constant 16 : i32
        %shift_left3A_325 = vector.broadcast %shift_left3A_324 : i32 to vector<16xi32>
        %shift_left3A_326 = arith.shli %gather3A_269, %shift_left3A_325 : vector<16xi32>
        %bitcast3A_327 = vector.bitcast %shift_left3A_326 : vector<16xi32> to vector<16xf32>
        %shift_left3A_328 = arith.constant 16 : i32
        %shift_left3A_329 = vector.broadcast %shift_left3A_328 : i32 to vector<16xi32>
        %shift_left3A_330 = arith.shli %gather3A_273, %shift_left3A_329 : vector<16xi32>
        %bitcast3A_331 = vector.bitcast %shift_left3A_330 : vector<16xi32> to vector<16xf32>
        %shift_left3A_332 = arith.constant 16 : i32
        %shift_left3A_333 = vector.broadcast %shift_left3A_332 : i32 to vector<16xi32>
        %shift_left3A_334 = arith.shli %gather3A_277, %shift_left3A_333 : vector<16xi32>
        %bitcast3A_335 = vector.bitcast %shift_left3A_334 : vector<16xi32> to vector<16xf32>
        %shift_left3A_336 = arith.constant 16 : i32
        %shift_left3A_337 = vector.broadcast %shift_left3A_336 : i32 to vector<16xi32>
        %shift_left3A_338 = arith.shli %gather3A_281, %shift_left3A_337 : vector<16xi32>
        %bitcast3A_339 = vector.bitcast %shift_left3A_338 : vector<16xi32> to vector<16xf32>
        %shift_left3A_340 = arith.constant 16 : i32
        %shift_left3A_341 = vector.broadcast %shift_left3A_340 : i32 to vector<16xi32>
        %shift_left3A_342 = arith.shli %gather3A_285, %shift_left3A_341 : vector<16xi32>
        %bitcast3A_343 = vector.bitcast %shift_left3A_342 : vector<16xi32> to vector<16xf32>
        %shift_left3A_344 = arith.constant 16 : i32
        %shift_left3A_345 = vector.broadcast %shift_left3A_344 : i32 to vector<16xi32>
        %shift_left3A_346 = arith.shli %gather3A_289, %shift_left3A_345 : vector<16xi32>
        %bitcast3A_347 = vector.bitcast %shift_left3A_346 : vector<16xi32> to vector<16xf32>
        %mul3A_348 = arith.mulf %mul3A_231, %bitcast3A : vector<16xf32>
        %mul3A_349 = arith.mulf %mul3A_232, %bitcast3A_290 : vector<16xf32>
        %add3A_350 = arith.addf %mul3A_348, %mul3A_349 : vector<16xf32>
        %mul3A_351 = arith.mulf %mul3A_233, %bitcast3A_291 : vector<16xf32>
        %mul3A_352 = arith.mulf %mul3A_234, %bitcast3A_292 : vector<16xf32>
        %add3A_353 = arith.addf %mul3A_351, %mul3A_352 : vector<16xf32>
        %add3A_354 = arith.addf %add3A_350, %add3A_353 : vector<16xf32>
        %mul3A_355 = arith.mulf %mul3A_231, %bitcast3A_303 : vector<16xf32>
        %mul3A_356 = arith.mulf %mul3A_232, %bitcast3A_307 : vector<16xf32>
        %add3A_357 = arith.addf %mul3A_355, %mul3A_356 : vector<16xf32>
        %mul3A_358 = arith.mulf %mul3A_233, %bitcast3A_311 : vector<16xf32>
        %mul3A_359 = arith.mulf %mul3A_234, %bitcast3A_315 : vector<16xf32>
        %add3A_360 = arith.addf %mul3A_358, %mul3A_359 : vector<16xf32>
        %add3A_361 = arith.addf %add3A_357, %add3A_360 : vector<16xf32>
        %sub3A_362 = arith.subf %add3A_361, %add3A_354 : vector<16xf32>
        %mul3A_363 = arith.mulf %sub3A_220, %sub3A_362 : vector<16xf32>
        %add3A_364 = arith.addf %add3A_354, %mul3A_363 : vector<16xf32>
        %mul3A_365 = arith.mulf %mul3A_231, %bitcast3A_293 : vector<16xf32>
        %mul3A_366 = arith.mulf %mul3A_232, %bitcast3A_294 : vector<16xf32>
        %add3A_367 = arith.addf %mul3A_365, %mul3A_366 : vector<16xf32>
        %mul3A_368 = arith.mulf %mul3A_233, %bitcast3A_295 : vector<16xf32>
        %mul3A_369 = arith.mulf %mul3A_234, %bitcast3A_296 : vector<16xf32>
        %add3A_370 = arith.addf %mul3A_368, %mul3A_369 : vector<16xf32>
        %add3A_371 = arith.addf %add3A_367, %add3A_370 : vector<16xf32>
        %mul3A_372 = arith.mulf %mul3A_231, %bitcast3A_319 : vector<16xf32>
        %mul3A_373 = arith.mulf %mul3A_232, %bitcast3A_323 : vector<16xf32>
        %add3A_374 = arith.addf %mul3A_372, %mul3A_373 : vector<16xf32>
        %mul3A_375 = arith.mulf %mul3A_233, %bitcast3A_327 : vector<16xf32>
        %mul3A_376 = arith.mulf %mul3A_234, %bitcast3A_331 : vector<16xf32>
        %add3A_377 = arith.addf %mul3A_375, %mul3A_376 : vector<16xf32>
        %add3A_378 = arith.addf %add3A_374, %add3A_377 : vector<16xf32>
        %sub3A_379 = arith.subf %add3A_378, %add3A_371 : vector<16xf32>
        %mul3A_380 = arith.mulf %sub3A_220, %sub3A_379 : vector<16xf32>
        %add3A_381 = arith.addf %add3A_371, %mul3A_380 : vector<16xf32>
        %mul3A_382 = arith.mulf %mul3A_231, %bitcast3A_297 : vector<16xf32>
        %mul3A_383 = arith.mulf %mul3A_232, %bitcast3A_298 : vector<16xf32>
        %add3A_384 = arith.addf %mul3A_382, %mul3A_383 : vector<16xf32>
        %mul3A_385 = arith.mulf %mul3A_233, %bitcast3A_299 : vector<16xf32>
        %mul3A_386 = arith.mulf %mul3A_234, %bitcast3A_300 : vector<16xf32>
        %add3A_387 = arith.addf %mul3A_385, %mul3A_386 : vector<16xf32>
        %add3A_388 = arith.addf %add3A_384, %add3A_387 : vector<16xf32>
        %mul3A_389 = arith.mulf %mul3A_231, %bitcast3A_335 : vector<16xf32>
        %mul3A_390 = arith.mulf %mul3A_232, %bitcast3A_339 : vector<16xf32>
        %add3A_391 = arith.addf %mul3A_389, %mul3A_390 : vector<16xf32>
        %mul3A_392 = arith.mulf %mul3A_233, %bitcast3A_343 : vector<16xf32>
        %mul3A_393 = arith.mulf %mul3A_234, %bitcast3A_347 : vector<16xf32>
        %add3A_394 = arith.addf %mul3A_392, %mul3A_393 : vector<16xf32>
        %add3A_395 = arith.addf %add3A_391, %add3A_394 : vector<16xf32>
        %sub3A_396 = arith.subf %add3A_395, %add3A_388 : vector<16xf32>
        %mul3A_397 = arith.mulf %sub3A_220, %sub3A_396 : vector<16xf32>
        %add3A_398 = arith.addf %add3A_388, %mul3A_397 : vector<16xf32>
        %swap3A = arith.index_cast %mul3A_201 : i32 to index
        %swap3A_399 = tpu.vector_load %arg12[%swap3A] {strides = array<i32>} : memref<1024xf32, #tpu.memory_space<vmem>>, vector<16xf32>,
        tpu.vector_store %arg12[%swap3A], %add3A_364 {strides = array<i32>} : memref<1024xf32, #tpu.memory_space<vmem>>, vector<16xf32>,
        %swap3A_400 = arith.index_cast %mul3A_201 : i32 to index
        %swap3A_401 = tpu.vector_load %arg13[%swap3A_400] {strides = array<i32>} : memref<1024xf32, #tpu.memory_space<vmem>>, vector<16xf32>,
        tpu.vector_store %arg13[%swap3A_400], %add3A_381 {strides = array<i32>} : memref<1024xf32, #tpu.memory_space<vmem>>, vector<16xf32>,
        %swap3A_402 = arith.index_cast %mul3A_201 : i32 to index
        %swap3A_403 = tpu.vector_load %arg14[%swap3A_402] {strides = array<i32>} : memref<1024xf32, #tpu.memory_space<vmem>>, vector<16xf32>,
        tpu.vector_store %arg14[%swap3A_402], %add3A_398 {strides = array<i32>} : memref<1024xf32, #tpu.memory_space<vmem>>, vector<16xf32>,
      }
      %scan3A_84 = arith.constant 64 : i32
      %jit3A = arith.constant 8 : i32
      %div3A = arith.divsi %mul3A_60, %jit3A : i32
      %sign3A = arith.constant 0 : i32
      %sign3A_85 = arith.cmpi sgt, %mul3A_60, %sign3A : i32
      %sign3A_86 = arith.extui %sign3A_85 : i1 to i32
      %sign3A_87 = arith.constant 0 : i32
      %sign3A_88 = arith.cmpi slt, %mul3A_60, %sign3A_87 : i32
      %sign3A_89 = arith.extui %sign3A_88 : i1 to i32
      %sign3A_90 = arith.subi %sign3A_86, %sign3A_89 : i32
      %sign3A_91 = arith.constant 0 : i32
      %sign3A_92 = arith.cmpi sgt, %jit3A, %sign3A_91 : i32
      %sign3A_93 = arith.extui %sign3A_92 : i1 to i32
      %sign3A_94 = arith.constant 0 : i32
      %sign3A_95 = arith.cmpi slt, %jit3A, %sign3A_94 : i32
      %sign3A_96 = arith.extui %sign3A_95 : i1 to i32
      %sign3A_97 = arith.subi %sign3A_93, %sign3A_96 : i32
      %ne3A = arith.cmpi ne, %sign3A_90, %sign3A_97 : i32
      %rem3A = arith.remsi %mul3A_60, %jit3A : i32
      %ne3A_98 = arith.constant 0 : i32
      %ne3A_99 = arith.cmpi ne, %rem3A, %ne3A_98 : i32
      %and3A = arith.andi %ne3A, %ne3A_99 : i1
      %sub3A = arith.constant 1 : i32
      %sub3A_100 = arith.subi %div3A, %sub3A : i32
      %select_n3A = arith.select %and3A, %sub3A_100, %div3A : i32
      %mul3A_101 = arith.constant 8 : i32
      %mul3A_102 = arith.muli %select_n3A, %mul3A_101 : i32
      %sub3A_103 = arith.subi %mul3A_60, %mul3A_102 : i32
      %mul3A_104 = arith.constant 786432 : i32
      %mul3A_105 = arith.muli %select_n3A, %mul3A_104 : i32
      %add3A_106 = arith.addi %mul3A_105, %mul3A_2 : i32
      %mul3A_107 = arith.constant 1024 : i32
      %mul3A_108 = arith.muli %sub3A_103, %mul3A_107 : i32
      %add3A_109 = arith.addi %add3A_106, %mul3A_108 : i32
      %dma_start3A_110 = tpu.memref_slice %arg4[%add3A_109] : memref<6291456xf32, #tpu.memory_space<hbm>> -> memref<1024xf32, #tpu.memory_space<hbm>>
      %dma_start3A_111 = tpu.memref_slice %arg4[%add3A_109] : memref<6291456xf32, #tpu.memory_space<hbm>> -> memref<1024xf32, #tpu.memory_space<hbm>>
      tpu.enqueue_dma source(%arg12 : memref<1024xf32, #tpu.memory_space<vmem>>) target(%dma_start3A_111 : memref<1024xf32, #tpu.memory_space<hbm>>) target_semaphore(%arg20 : memref<!tpu.dma_semaphore, #tpu.memory_space<semaphore_mem>>)
      %add3A_112 = arith.constant 262144 : i32
      %add3A_113 = arith.addi %add3A_109, %add3A_112 : i32
      %dma_start3A_114 = tpu.memref_slice %arg4[%add3A_113] : memref<6291456xf32, #tpu.memory_space<hbm>> -> memref<1024xf32, #tpu.memory_space<hbm>>
      %dma_start3A_115 = tpu.memref_slice %arg4[%add3A_113] : memref<6291456xf32, #tpu.memory_space<hbm>> -> memref<1024xf32, #tpu.memory_space<hbm>>
      tpu.enqueue_dma source(%arg13 : memref<1024xf32, #tpu.memory_space<vmem>>) target(%dma_start3A_115 : memref<1024xf32, #tpu.memory_space<hbm>>) target_semaphore(%arg20 : memref<!tpu.dma_semaphore, #tpu.memory_space<semaphore_mem>>)
      %add3A_116 = arith.constant 524288 : i32
      %add3A_117 = arith.addi %add3A_109, %add3A_116 : i32
      %dma_start3A_118 = tpu.memref_slice %arg4[%add3A_117] : memref<6291456xf32, #tpu.memory_space<hbm>> -> memref<1024xf32, #tpu.memory_space<hbm>>
      %dma_start3A_119 = tpu.memref_slice %arg4[%add3A_117] : memref<6291456xf32, #tpu.memory_space<hbm>> -> memref<1024xf32, #tpu.memory_space<hbm>>
      tpu.enqueue_dma source(%arg14 : memref<1024xf32, #tpu.memory_space<vmem>>) target(%dma_start3A_119 : memref<1024xf32, #tpu.memory_space<hbm>>) target_semaphore(%arg20 : memref<!tpu.dma_semaphore, #tpu.memory_space<semaphore_mem>>)
      %add3A_120 = arith.constant 2 : i32
      %add3A_121 = arith.addi %mul3A_60, %add3A_120 : i32
      %lt3A = arith.constant 64 : i32
      %lt3A_122 = arith.cmpi slt, %add3A_121, %lt3A : i32
      %convert_element_type3A_123 = arith.extui %lt3A_122 : i1 to i32
      %cond3A_124 = arith.constant 0 : i32
      %cond3A_125 = arith.cmpi ne, %convert_element_type3A_123, %cond3A_124 : i32
      scf.if %cond3A_125 {
        %add3A_199 = arith.constant 2 : i32
        %add3A_200 = arith.addi %mul3A_60, %add3A_199 : i32
        %jit3A_201 = arith.constant 8 : i32
        %div3A_202 = arith.divsi %add3A_200, %jit3A_201 : i32
        %sign3A_203 = arith.constant 0 : i32
        %sign3A_204 = arith.cmpi sgt, %add3A_200, %sign3A_203 : i32
        %sign3A_205 = arith.extui %sign3A_204 : i1 to i32
        %sign3A_206 = arith.constant 0 : i32
        %sign3A_207 = arith.cmpi slt, %add3A_200, %sign3A_206 : i32
        %sign3A_208 = arith.extui %sign3A_207 : i1 to i32
        %sign3A_209 = arith.subi %sign3A_205, %sign3A_208 : i32
        %sign3A_210 = arith.constant 0 : i32
        %sign3A_211 = arith.cmpi sgt, %jit3A_201, %sign3A_210 : i32
        %sign3A_212 = arith.extui %sign3A_211 : i1 to i32
        %sign3A_213 = arith.constant 0 : i32
        %sign3A_214 = arith.cmpi slt, %jit3A_201, %sign3A_213 : i32
        %sign3A_215 = arith.extui %sign3A_214 : i1 to i32
        %sign3A_216 = arith.subi %sign3A_212, %sign3A_215 : i32
        %ne3A_217 = arith.cmpi ne, %sign3A_209, %sign3A_216 : i32
        %rem3A_218 = arith.remsi %add3A_200, %jit3A_201 : i32
        %ne3A_219 = arith.constant 0 : i32
        %ne3A_220 = arith.cmpi ne, %rem3A_218, %ne3A_219 : i32
        %and3A_221 = arith.andi %ne3A_217, %ne3A_220 : i1
        %sub3A_222 = arith.constant 1 : i32
        %sub3A_223 = arith.subi %div3A_202, %sub3A_222 : i32
        %select_n3A_224 = arith.select %and3A_221, %sub3A_223, %div3A_202 : i32
        %mul3A_225 = arith.constant 8 : i32
        %mul3A_226 = arith.muli %select_n3A_224, %mul3A_225 : i32
        %sub3A_227 = arith.subi %add3A_200, %mul3A_226 : i32
        %mul3A_228 = arith.constant 786432 : i32
        %mul3A_229 = arith.muli %select_n3A_224, %mul3A_228 : i32
        %add3A_230 = arith.addi %mul3A_229, %mul3A_2 : i32
        %mul3A_231 = arith.constant 1024 : i32
        %mul3A_232 = arith.muli %sub3A_227, %mul3A_231 : i32
        %add3A_233 = arith.addi %add3A_230, %mul3A_232 : i32
        %dma_start3A_234 = tpu.memref_slice %arg3[%add3A_233] : memref<6291456xf32, #tpu.memory_space<hbm>> -> memref<1024xf32, #tpu.memory_space<hbm>>
        %dma_start3A_235 = tpu.memref_slice %arg3[%add3A_233] : memref<6291456xf32, #tpu.memory_space<hbm>> -> memref<1024xf32, #tpu.memory_space<hbm>>
        tpu.enqueue_dma source(%dma_start3A_235 : memref<1024xf32, #tpu.memory_space<hbm>>) target(%arg6 : memref<1024xf32, #tpu.memory_space<vmem>>) target_semaphore(%arg18 : memref<!tpu.dma_semaphore, #tpu.memory_space<semaphore_mem>>)
        %add3A_236 = arith.constant 262144 : i32
        %add3A_237 = arith.addi %add3A_233, %add3A_236 : i32
        %dma_start3A_238 = tpu.memref_slice %arg3[%add3A_237] : memref<6291456xf32, #tpu.memory_space<hbm>> -> memref<1024xf32, #tpu.memory_space<hbm>>
        %dma_start3A_239 = tpu.memref_slice %arg3[%add3A_237] : memref<6291456xf32, #tpu.memory_space<hbm>> -> memref<1024xf32, #tpu.memory_space<hbm>>
        tpu.enqueue_dma source(%dma_start3A_239 : memref<1024xf32, #tpu.memory_space<hbm>>) target(%arg7 : memref<1024xf32, #tpu.memory_space<vmem>>) target_semaphore(%arg18 : memref<!tpu.dma_semaphore, #tpu.memory_space<semaphore_mem>>)
        %add3A_240 = arith.constant 524288 : i32
        %add3A_241 = arith.addi %add3A_233, %add3A_240 : i32
        %dma_start3A_242 = tpu.memref_slice %arg3[%add3A_241] : memref<6291456xf32, #tpu.memory_space<hbm>> -> memref<1024xf32, #tpu.memory_space<hbm>>
        %dma_start3A_243 = tpu.memref_slice %arg3[%add3A_241] : memref<6291456xf32, #tpu.memory_space<hbm>> -> memref<1024xf32, #tpu.memory_space<hbm>>
        tpu.enqueue_dma source(%dma_start3A_243 : memref<1024xf32, #tpu.memory_space<hbm>>) target(%arg8 : memref<1024xf32, #tpu.memory_space<vmem>>) target_semaphore(%arg18 : memref<!tpu.dma_semaphore, #tpu.memory_space<semaphore_mem>>)
      } else {
      }
      %dma_wait3A_126 = arith.constant 0 : i32
      %dma_wait3A_127 = tpu.memref_slice %arg3[%dma_wait3A_126] : memref<6291456xf32, #tpu.memory_space<hbm>> -> memref<1024xf32, #tpu.memory_space<hbm>>
      %dma_wait3A_128 = arith.constant 0 : i32
      %dma_wait3A_129 = tpu.memref_slice %arg3[%dma_wait3A_128] : memref<6291456xf32, #tpu.memory_space<hbm>> -> memref<1024xf32, #tpu.memory_space<hbm>>
      tpu.wait_dma2 semaphore(%arg19 : memref<!tpu.dma_semaphore, #tpu.memory_space<semaphore_mem>>) src(%dma_wait3A_129 : memref<1024xf32, #tpu.memory_space<hbm>>) dst(%arg9 : memref<1024xf32, #tpu.memory_space<vmem>>)
      %dma_wait3A_130 = arith.constant 0 : i32
      %dma_wait3A_131 = tpu.memref_slice %arg3[%dma_wait3A_130] : memref<6291456xf32, #tpu.memory_space<hbm>> -> memref<1024xf32, #tpu.memory_space<hbm>>
      %dma_wait3A_132 = arith.constant 0 : i32
      %dma_wait3A_133 = tpu.memref_slice %arg3[%dma_wait3A_132] : memref<6291456xf32, #tpu.memory_space<hbm>> -> memref<1024xf32, #tpu.memory_space<hbm>>
      tpu.wait_dma2 semaphore(%arg19 : memref<!tpu.dma_semaphore, #tpu.memory_space<semaphore_mem>>) src(%dma_wait3A_133 : memref<1024xf32, #tpu.memory_space<hbm>>) dst(%arg9 : memref<1024xf32, #tpu.memory_space<vmem>>)
      %dma_wait3A_134 = arith.constant 0 : i32
      %dma_wait3A_135 = tpu.memref_slice %arg3[%dma_wait3A_134] : memref<6291456xf32, #tpu.memory_space<hbm>> -> memref<1024xf32, #tpu.memory_space<hbm>>
      %dma_wait3A_136 = arith.constant 0 : i32
      %dma_wait3A_137 = tpu.memref_slice %arg3[%dma_wait3A_136] : memref<6291456xf32, #tpu.memory_space<hbm>> -> memref<1024xf32, #tpu.memory_space<hbm>>
      tpu.wait_dma2 semaphore(%arg19 : memref<!tpu.dma_semaphore, #tpu.memory_space<semaphore_mem>>) src(%dma_wait3A_137 : memref<1024xf32, #tpu.memory_space<hbm>>) dst(%arg9 : memref<1024xf32, #tpu.memory_space<vmem>>)
      %gt3A_138 = arith.constant 0 : i32
      %gt3A_139 = arith.cmpi sgt, %scan3A_58, %gt3A_138 : i32
      %convert_element_type3A_140 = arith.extui %gt3A_139 : i1 to i32
      %cond3A_141 = arith.constant 0 : i32
      %cond3A_142 = arith.cmpi ne, %convert_element_type3A_140, %cond3A_141 : i32
      scf.if %cond3A_142 {
        %dma_wait3A_199 = arith.constant 0 : i32
        %dma_wait3A_200 = tpu.memref_slice %arg3[%dma_wait3A_199] : memref<6291456xf32, #tpu.memory_space<hbm>> -> memref<1024xf32, #tpu.memory_space<hbm>>
        %dma_wait3A_201 = arith.constant 0 : i32
        %dma_wait3A_202 = tpu.memref_slice %arg3[%dma_wait3A_201] : memref<6291456xf32, #tpu.memory_space<hbm>> -> memref<1024xf32, #tpu.memory_space<hbm>>
        tpu.wait_dma2 semaphore(%arg21 : memref<!tpu.dma_semaphore, #tpu.memory_space<semaphore_mem>>) src(%dma_wait3A_202 : memref<1024xf32, #tpu.memory_space<hbm>>) dst(%arg15 : memref<1024xf32, #tpu.memory_space<vmem>>)
        %dma_wait3A_203 = arith.constant 0 : i32
        %dma_wait3A_204 = tpu.memref_slice %arg3[%dma_wait3A_203] : memref<6291456xf32, #tpu.memory_space<hbm>> -> memref<1024xf32, #tpu.memory_space<hbm>>
        %dma_wait3A_205 = arith.constant 0 : i32
        %dma_wait3A_206 = tpu.memref_slice %arg3[%dma_wait3A_205] : memref<6291456xf32, #tpu.memory_space<hbm>> -> memref<1024xf32, #tpu.memory_space<hbm>>
        tpu.wait_dma2 semaphore(%arg21 : memref<!tpu.dma_semaphore, #tpu.memory_space<semaphore_mem>>) src(%dma_wait3A_206 : memref<1024xf32, #tpu.memory_space<hbm>>) dst(%arg15 : memref<1024xf32, #tpu.memory_space<vmem>>)
        %dma_wait3A_207 = arith.constant 0 : i32
        %dma_wait3A_208 = tpu.memref_slice %arg3[%dma_wait3A_207] : memref<6291456xf32, #tpu.memory_space<hbm>> -> memref<1024xf32, #tpu.memory_space<hbm>>
        %dma_wait3A_209 = arith.constant 0 : i32
        %dma_wait3A_210 = tpu.memref_slice %arg3[%dma_wait3A_209] : memref<6291456xf32, #tpu.memory_space<hbm>> -> memref<1024xf32, #tpu.memory_space<hbm>>
        tpu.wait_dma2 semaphore(%arg21 : memref<!tpu.dma_semaphore, #tpu.memory_space<semaphore_mem>>) src(%dma_wait3A_210 : memref<1024xf32, #tpu.memory_space<hbm>>) dst(%arg15 : memref<1024xf32, #tpu.memory_space<vmem>>)
      } else {
      }
      %scan3A_143 = arith.constant 0 : i32
      %scan3A_144 = arith.constant 0 : i32
      %scan3A_145 = arith.constant 64 : i32
      %scan3A_146 = arith.addi %scan3A_144, %scan3A_145 : i32
      %scan3A_147 = arith.constant 1 : i32
      scf.for %scan3A_199 = %scan3A_144 to %scan3A_146 step %scan3A_147  : i32 {
        %mul3A_200 = arith.constant 16 : i32
        %mul3A_201 = arith.muli %scan3A_199, %mul3A_200 : i32
        %get3A = arith.index_cast %mul3A_201 : i32 to index
        %get3A_202 = tpu.vector_load %arg9[%get3A] {strides = array<i32>} : memref<1024xf32, #tpu.memory_space<vmem>>, vector<16xf32>,
        %mul3A_203 = arith.constant 31.9999676 : f32
        %mul3A_204 = vector.broadcast %mul3A_203 : f32 to vector<16xf32>
        %mul3A_205 = arith.mulf %get3A_202, %mul3A_204 : vector<16xf32>
        %get3A_206 = arith.index_cast %mul3A_201 : i32 to index
        %get3A_207 = tpu.vector_load %arg10[%get3A_206] {strides = array<i32>} : memref<1024xf32, #tpu.memory_space<vmem>>, vector<16xf32>,
        %mul3A_208 = arith.constant 31.9999676 : f32
        %mul3A_209 = vector.broadcast %mul3A_208 : f32 to vector<16xf32>
        %mul3A_210 = arith.mulf %get3A_207, %mul3A_209 : vector<16xf32>
        %get3A_211 = arith.index_cast %mul3A_201 : i32 to index
        %get3A_212 = tpu.vector_load %arg11[%get3A_211] {strides = array<i32>} : memref<1024xf32, #tpu.memory_space<vmem>>, vector<16xf32>,
        %mul3A_213 = arith.constant 31.9999676 : f32
        %mul3A_214 = vector.broadcast %mul3A_213 : f32 to vector<16xf32>
        %mul3A_215 = arith.mulf %get3A_212, %mul3A_214 : vector<16xf32>
        %convert_element_type3A_216 = arith.fptosi %mul3A_205 : vector<16xf32> to vector<16xi32>
        %convert_element_type3A_217 = arith.fptosi %mul3A_210 : vector<16xf32> to vector<16xi32>
        %convert_element_type3A_218 = arith.fptosi %mul3A_215 : vector<16xf32> to vector<16xi32>
        %convert_element_type3A_219 = arith.sitofp %convert_element_type3A_216 : vector<16xi32> to vector<16xf32>
        %sub3A_220 = arith.subf %mul3A_205, %convert_element_type3A_219 : vector<16xf32>
        %convert_element_type3A_221 = arith.sitofp %convert_element_type3A_217 : vector<16xi32> to vector<16xf32>
        %sub3A_222 = arith.subf %mul3A_210, %convert_element_type3A_221 : vector<16xf32>
        %convert_element_type3A_223 = arith.sitofp %convert_element_type3A_218 : vector<16xi32> to vector<16xf32>
        %sub3A_224 = arith.subf %mul3A_215, %convert_element_type3A_223 : vector<16xf32>
        %sub3A_225 = arith.constant 1.000000e+00 : f32
        %sub3A_226 = vector.broadcast %sub3A_225 : f32 to vector<16xf32>
        %sub3A_227 = arith.subf %sub3A_226, %sub3A_222 : vector<16xf32>
        %sub3A_228 = arith.constant 1.000000e+00 : f32
        %sub3A_229 = vector.broadcast %sub3A_228 : f32 to vector<16xf32>
        %sub3A_230 = arith.subf %sub3A_229, %sub3A_224 : vector<16xf32>
        %mul3A_231 = arith.mulf %sub3A_227, %sub3A_230 : vector<16xf32>
        %mul3A_232 = arith.mulf %sub3A_222, %sub3A_230 : vector<16xf32>
        %mul3A_233 = arith.mulf %sub3A_227, %sub3A_224 : vector<16xf32>
        %mul3A_234 = arith.mulf %sub3A_222, %sub3A_224 : vector<16xf32>
        %mul3A_235 = arith.constant 33 : i32
        %mul3A_236 = vector.broadcast %mul3A_235 : i32 to vector<16xi32>
        %mul3A_237 = arith.muli %convert_element_type3A_217, %mul3A_236 : vector<16xi32>
        %add3A_238 = arith.addi %convert_element_type3A_216, %mul3A_237 : vector<16xi32>
        %mul3A_239 = arith.constant 1089 : i32
        %mul3A_240 = vector.broadcast %mul3A_239 : i32 to vector<16xi32>
        %mul3A_241 = arith.muli %convert_element_type3A_218, %mul3A_240 : vector<16xi32>
        %add3A_242 = arith.addi %add3A_238, %mul3A_241 : vector<16xi32>
        %add3A_243 = arith.constant 0 : i32
        %add3A_244 = vector.broadcast %add3A_243 : i32 to vector<16xi32>
        %add3A_245 = arith.addi %add3A_242, %add3A_244 : vector<16xi32>
        %gather3A = tpu.vector_load_idx %arg5[%add3A_245] : memref<107832xi32, #tpu.memory_space<vmem>>[vector<16xi32>], vector<16xi32>,
        %add3A_246 = arith.constant 33 : i32
        %add3A_247 = vector.broadcast %add3A_246 : i32 to vector<16xi32>
        %add3A_248 = arith.addi %add3A_242, %add3A_247 : vector<16xi32>
        %gather3A_249 = tpu.vector_load_idx %arg5[%add3A_248] : memref<107832xi32, #tpu.memory_space<vmem>>[vector<16xi32>], vector<16xi32>,
        %add3A_250 = arith.constant 1089 : i32
        %add3A_251 = vector.broadcast %add3A_250 : i32 to vector<16xi32>
        %add3A_252 = arith.addi %add3A_242, %add3A_251 : vector<16xi32>
        %gather3A_253 = tpu.vector_load_idx %arg5[%add3A_252] : memref<107832xi32, #tpu.memory_space<vmem>>[vector<16xi32>], vector<16xi32>,
        %add3A_254 = arith.constant 1122 : i32
        %add3A_255 = vector.broadcast %add3A_254 : i32 to vector<16xi32>
        %add3A_256 = arith.addi %add3A_242, %add3A_255 : vector<16xi32>
        %gather3A_257 = tpu.vector_load_idx %arg5[%add3A_256] : memref<107832xi32, #tpu.memory_space<vmem>>[vector<16xi32>], vector<16xi32>,
        %add3A_258 = arith.constant 35944 : i32
        %add3A_259 = vector.broadcast %add3A_258 : i32 to vector<16xi32>
        %add3A_260 = arith.addi %add3A_242, %add3A_259 : vector<16xi32>
        %gather3A_261 = tpu.vector_load_idx %arg5[%add3A_260] : memref<107832xi32, #tpu.memory_space<vmem>>[vector<16xi32>], vector<16xi32>,
        %add3A_262 = arith.constant 35977 : i32
        %add3A_263 = vector.broadcast %add3A_262 : i32 to vector<16xi32>
        %add3A_264 = arith.addi %add3A_242, %add3A_263 : vector<16xi32>
        %gather3A_265 = tpu.vector_load_idx %arg5[%add3A_264] : memref<107832xi32, #tpu.memory_space<vmem>>[vector<16xi32>], vector<16xi32>,
        %add3A_266 = arith.constant 37033 : i32
        %add3A_267 = vector.broadcast %add3A_266 : i32 to vector<16xi32>
        %add3A_268 = arith.addi %add3A_242, %add3A_267 : vector<16xi32>
        %gather3A_269 = tpu.vector_load_idx %arg5[%add3A_268] : memref<107832xi32, #tpu.memory_space<vmem>>[vector<16xi32>], vector<16xi32>,
        %add3A_270 = arith.constant 37066 : i32
        %add3A_271 = vector.broadcast %add3A_270 : i32 to vector<16xi32>
        %add3A_272 = arith.addi %add3A_242, %add3A_271 : vector<16xi32>
        %gather3A_273 = tpu.vector_load_idx %arg5[%add3A_272] : memref<107832xi32, #tpu.memory_space<vmem>>[vector<16xi32>], vector<16xi32>,
        %add3A_274 = arith.constant 71888 : i32
        %add3A_275 = vector.broadcast %add3A_274 : i32 to vector<16xi32>
        %add3A_276 = arith.addi %add3A_242, %add3A_275 : vector<16xi32>
        %gather3A_277 = tpu.vector_load_idx %arg5[%add3A_276] : memref<107832xi32, #tpu.memory_space<vmem>>[vector<16xi32>], vector<16xi32>,
        %add3A_278 = arith.constant 71921 : i32
        %add3A_279 = vector.broadcast %add3A_278 : i32 to vector<16xi32>
        %add3A_280 = arith.addi %add3A_242, %add3A_279 : vector<16xi32>
        %gather3A_281 = tpu.vector_load_idx %arg5[%add3A_280] : memref<107832xi32, #tpu.memory_space<vmem>>[vector<16xi32>], vector<16xi32>,
        %add3A_282 = arith.constant 72977 : i32
        %add3A_283 = vector.broadcast %add3A_282 : i32 to vector<16xi32>
        %add3A_284 = arith.addi %add3A_242, %add3A_283 : vector<16xi32>
        %gather3A_285 = tpu.vector_load_idx %arg5[%add3A_284] : memref<107832xi32, #tpu.memory_space<vmem>>[vector<16xi32>], vector<16xi32>,
        %add3A_286 = arith.constant 73010 : i32
        %add3A_287 = vector.broadcast %add3A_286 : i32 to vector<16xi32>
        %add3A_288 = arith.addi %add3A_242, %add3A_287 : vector<16xi32>
        %gather3A_289 = tpu.vector_load_idx %arg5[%add3A_288] : memref<107832xi32, #tpu.memory_space<vmem>>[vector<16xi32>], vector<16xi32>,
        %bitcast3A = vector.bitcast %gather3A : vector<16xi32> to vector<16xf32>
        %bitcast3A_290 = vector.bitcast %gather3A_249 : vector<16xi32> to vector<16xf32>
        %bitcast3A_291 = vector.bitcast %gather3A_253 : vector<16xi32> to vector<16xf32>
        %bitcast3A_292 = vector.bitcast %gather3A_257 : vector<16xi32> to vector<16xf32>
        %bitcast3A_293 = vector.bitcast %gather3A_261 : vector<16xi32> to vector<16xf32>
        %bitcast3A_294 = vector.bitcast %gather3A_265 : vector<16xi32> to vector<16xf32>
        %bitcast3A_295 = vector.bitcast %gather3A_269 : vector<16xi32> to vector<16xf32>
        %bitcast3A_296 = vector.bitcast %gather3A_273 : vector<16xi32> to vector<16xf32>
        %bitcast3A_297 = vector.bitcast %gather3A_277 : vector<16xi32> to vector<16xf32>
        %bitcast3A_298 = vector.bitcast %gather3A_281 : vector<16xi32> to vector<16xf32>
        %bitcast3A_299 = vector.bitcast %gather3A_285 : vector<16xi32> to vector<16xf32>
        %bitcast3A_300 = vector.bitcast %gather3A_289 : vector<16xi32> to vector<16xf32>
        %shift_left3A = arith.constant 16 : i32
        %shift_left3A_301 = vector.broadcast %shift_left3A : i32 to vector<16xi32>
        %shift_left3A_302 = arith.shli %gather3A, %shift_left3A_301 : vector<16xi32>
        %bitcast3A_303 = vector.bitcast %shift_left3A_302 : vector<16xi32> to vector<16xf32>
        %shift_left3A_304 = arith.constant 16 : i32
        %shift_left3A_305 = vector.broadcast %shift_left3A_304 : i32 to vector<16xi32>
        %shift_left3A_306 = arith.shli %gather3A_249, %shift_left3A_305 : vector<16xi32>
        %bitcast3A_307 = vector.bitcast %shift_left3A_306 : vector<16xi32> to vector<16xf32>
        %shift_left3A_308 = arith.constant 16 : i32
        %shift_left3A_309 = vector.broadcast %shift_left3A_308 : i32 to vector<16xi32>
        %shift_left3A_310 = arith.shli %gather3A_253, %shift_left3A_309 : vector<16xi32>
        %bitcast3A_311 = vector.bitcast %shift_left3A_310 : vector<16xi32> to vector<16xf32>
        %shift_left3A_312 = arith.constant 16 : i32
        %shift_left3A_313 = vector.broadcast %shift_left3A_312 : i32 to vector<16xi32>
        %shift_left3A_314 = arith.shli %gather3A_257, %shift_left3A_313 : vector<16xi32>
        %bitcast3A_315 = vector.bitcast %shift_left3A_314 : vector<16xi32> to vector<16xf32>
        %shift_left3A_316 = arith.constant 16 : i32
        %shift_left3A_317 = vector.broadcast %shift_left3A_316 : i32 to vector<16xi32>
        %shift_left3A_318 = arith.shli %gather3A_261, %shift_left3A_317 : vector<16xi32>
        %bitcast3A_319 = vector.bitcast %shift_left3A_318 : vector<16xi32> to vector<16xf32>
        %shift_left3A_320 = arith.constant 16 : i32
        %shift_left3A_321 = vector.broadcast %shift_left3A_320 : i32 to vector<16xi32>
        %shift_left3A_322 = arith.shli %gather3A_265, %shift_left3A_321 : vector<16xi32>
        %bitcast3A_323 = vector.bitcast %shift_left3A_322 : vector<16xi32> to vector<16xf32>
        %shift_left3A_324 = arith.constant 16 : i32
        %shift_left3A_325 = vector.broadcast %shift_left3A_324 : i32 to vector<16xi32>
        %shift_left3A_326 = arith.shli %gather3A_269, %shift_left3A_325 : vector<16xi32>
        %bitcast3A_327 = vector.bitcast %shift_left3A_326 : vector<16xi32> to vector<16xf32>
        %shift_left3A_328 = arith.constant 16 : i32
        %shift_left3A_329 = vector.broadcast %shift_left3A_328 : i32 to vector<16xi32>
        %shift_left3A_330 = arith.shli %gather3A_273, %shift_left3A_329 : vector<16xi32>
        %bitcast3A_331 = vector.bitcast %shift_left3A_330 : vector<16xi32> to vector<16xf32>
        %shift_left3A_332 = arith.constant 16 : i32
        %shift_left3A_333 = vector.broadcast %shift_left3A_332 : i32 to vector<16xi32>
        %shift_left3A_334 = arith.shli %gather3A_277, %shift_left3A_333 : vector<16xi32>
        %bitcast3A_335 = vector.bitcast %shift_left3A_334 : vector<16xi32> to vector<16xf32>
        %shift_left3A_336 = arith.constant 16 : i32
        %shift_left3A_337 = vector.broadcast %shift_left3A_336 : i32 to vector<16xi32>
        %shift_left3A_338 = arith.shli %gather3A_281, %shift_left3A_337 : vector<16xi32>
        %bitcast3A_339 = vector.bitcast %shift_left3A_338 : vector<16xi32> to vector<16xf32>
        %shift_left3A_340 = arith.constant 16 : i32
        %shift_left3A_341 = vector.broadcast %shift_left3A_340 : i32 to vector<16xi32>
        %shift_left3A_342 = arith.shli %gather3A_285, %shift_left3A_341 : vector<16xi32>
        %bitcast3A_343 = vector.bitcast %shift_left3A_342 : vector<16xi32> to vector<16xf32>
        %shift_left3A_344 = arith.constant 16 : i32
        %shift_left3A_345 = vector.broadcast %shift_left3A_344 : i32 to vector<16xi32>
        %shift_left3A_346 = arith.shli %gather3A_289, %shift_left3A_345 : vector<16xi32>
        %bitcast3A_347 = vector.bitcast %shift_left3A_346 : vector<16xi32> to vector<16xf32>
        %mul3A_348 = arith.mulf %mul3A_231, %bitcast3A : vector<16xf32>
        %mul3A_349 = arith.mulf %mul3A_232, %bitcast3A_290 : vector<16xf32>
        %add3A_350 = arith.addf %mul3A_348, %mul3A_349 : vector<16xf32>
        %mul3A_351 = arith.mulf %mul3A_233, %bitcast3A_291 : vector<16xf32>
        %mul3A_352 = arith.mulf %mul3A_234, %bitcast3A_292 : vector<16xf32>
        %add3A_353 = arith.addf %mul3A_351, %mul3A_352 : vector<16xf32>
        %add3A_354 = arith.addf %add3A_350, %add3A_353 : vector<16xf32>
        %mul3A_355 = arith.mulf %mul3A_231, %bitcast3A_303 : vector<16xf32>
        %mul3A_356 = arith.mulf %mul3A_232, %bitcast3A_307 : vector<16xf32>
        %add3A_357 = arith.addf %mul3A_355, %mul3A_356 : vector<16xf32>
        %mul3A_358 = arith.mulf %mul3A_233, %bitcast3A_311 : vector<16xf32>
        %mul3A_359 = arith.mulf %mul3A_234, %bitcast3A_315 : vector<16xf32>
        %add3A_360 = arith.addf %mul3A_358, %mul3A_359 : vector<16xf32>
        %add3A_361 = arith.addf %add3A_357, %add3A_360 : vector<16xf32>
        %sub3A_362 = arith.subf %add3A_361, %add3A_354 : vector<16xf32>
        %mul3A_363 = arith.mulf %sub3A_220, %sub3A_362 : vector<16xf32>
        %add3A_364 = arith.addf %add3A_354, %mul3A_363 : vector<16xf32>
        %mul3A_365 = arith.mulf %mul3A_231, %bitcast3A_293 : vector<16xf32>
        %mul3A_366 = arith.mulf %mul3A_232, %bitcast3A_294 : vector<16xf32>
        %add3A_367 = arith.addf %mul3A_365, %mul3A_366 : vector<16xf32>
        %mul3A_368 = arith.mulf %mul3A_233, %bitcast3A_295 : vector<16xf32>
        %mul3A_369 = arith.mulf %mul3A_234, %bitcast3A_296 : vector<16xf32>
        %add3A_370 = arith.addf %mul3A_368, %mul3A_369 : vector<16xf32>
        %add3A_371 = arith.addf %add3A_367, %add3A_370 : vector<16xf32>
        %mul3A_372 = arith.mulf %mul3A_231, %bitcast3A_319 : vector<16xf32>
        %mul3A_373 = arith.mulf %mul3A_232, %bitcast3A_323 : vector<16xf32>
        %add3A_374 = arith.addf %mul3A_372, %mul3A_373 : vector<16xf32>
        %mul3A_375 = arith.mulf %mul3A_233, %bitcast3A_327 : vector<16xf32>
        %mul3A_376 = arith.mulf %mul3A_234, %bitcast3A_331 : vector<16xf32>
        %add3A_377 = arith.addf %mul3A_375, %mul3A_376 : vector<16xf32>
        %add3A_378 = arith.addf %add3A_374, %add3A_377 : vector<16xf32>
        %sub3A_379 = arith.subf %add3A_378, %add3A_371 : vector<16xf32>
        %mul3A_380 = arith.mulf %sub3A_220, %sub3A_379 : vector<16xf32>
        %add3A_381 = arith.addf %add3A_371, %mul3A_380 : vector<16xf32>
        %mul3A_382 = arith.mulf %mul3A_231, %bitcast3A_297 : vector<16xf32>
        %mul3A_383 = arith.mulf %mul3A_232, %bitcast3A_298 : vector<16xf32>
        %add3A_384 = arith.addf %mul3A_382, %mul3A_383 : vector<16xf32>
        %mul3A_385 = arith.mulf %mul3A_233, %bitcast3A_299 : vector<16xf32>
        %mul3A_386 = arith.mulf %mul3A_234, %bitcast3A_300 : vector<16xf32>
        %add3A_387 = arith.addf %mul3A_385, %mul3A_386 : vector<16xf32>
        %add3A_388 = arith.addf %add3A_384, %add3A_387 : vector<16xf32>
        %mul3A_389 = arith.mulf %mul3A_231, %bitcast3A_335 : vector<16xf32>
        %mul3A_390 = arith.mulf %mul3A_232, %bitcast3A_339 : vector<16xf32>
        %add3A_391 = arith.addf %mul3A_389, %mul3A_390 : vector<16xf32>
        %mul3A_392 = arith.mulf %mul3A_233, %bitcast3A_343 : vector<16xf32>
        %mul3A_393 = arith.mulf %mul3A_234, %bitcast3A_347 : vector<16xf32>
        %add3A_394 = arith.addf %mul3A_392, %mul3A_393 : vector<16xf32>
        %add3A_395 = arith.addf %add3A_391, %add3A_394 : vector<16xf32>
        %sub3A_396 = arith.subf %add3A_395, %add3A_388 : vector<16xf32>
        %mul3A_397 = arith.mulf %sub3A_220, %sub3A_396 : vector<16xf32>
        %add3A_398 = arith.addf %add3A_388, %mul3A_397 : vector<16xf32>
        %swap3A = arith.index_cast %mul3A_201 : i32 to index
        %swap3A_399 = tpu.vector_load %arg15[%swap3A] {strides = array<i32>} : memref<1024xf32, #tpu.memory_space<vmem>>, vector<16xf32>,
        tpu.vector_store %arg15[%swap3A], %add3A_364 {strides = array<i32>} : memref<1024xf32, #tpu.memory_space<vmem>>, vector<16xf32>,
        %swap3A_400 = arith.index_cast %mul3A_201 : i32 to index
        %swap3A_401 = tpu.vector_load %arg16[%swap3A_400] {strides = array<i32>} : memref<1024xf32, #tpu.memory_space<vmem>>, vector<16xf32>,
        tpu.vector_store %arg16[%swap3A_400], %add3A_381 {strides = array<i32>} : memref<1024xf32, #tpu.memory_space<vmem>>, vector<16xf32>,
        %swap3A_402 = arith.index_cast %mul3A_201 : i32 to index
        %swap3A_403 = tpu.vector_load %arg17[%swap3A_402] {strides = array<i32>} : memref<1024xf32, #tpu.memory_space<vmem>>, vector<16xf32>,
        tpu.vector_store %arg17[%swap3A_402], %add3A_398 {strides = array<i32>} : memref<1024xf32, #tpu.memory_space<vmem>>, vector<16xf32>,
      }
      %scan3A_148 = arith.constant 64 : i32
      %jit3A_149 = arith.constant 8 : i32
      %div3A_150 = arith.divsi %add3A_64, %jit3A_149 : i32
      %sign3A_151 = arith.constant 0 : i32
      %sign3A_152 = arith.cmpi sgt, %add3A_64, %sign3A_151 : i32
      %sign3A_153 = arith.extui %sign3A_152 : i1 to i32
      %sign3A_154 = arith.constant 0 : i32
      %sign3A_155 = arith.cmpi slt, %add3A_64, %sign3A_154 : i32
      %sign3A_156 = arith.extui %sign3A_155 : i1 to i32
      %sign3A_157 = arith.subi %sign3A_153, %sign3A_156 : i32
      %sign3A_158 = arith.constant 0 : i32
      %sign3A_159 = arith.cmpi sgt, %jit3A_149, %sign3A_158 : i32
      %sign3A_160 = arith.extui %sign3A_159 : i1 to i32
      %sign3A_161 = arith.constant 0 : i32
      %sign3A_162 = arith.cmpi slt, %jit3A_149, %sign3A_161 : i32
      %sign3A_163 = arith.extui %sign3A_162 : i1 to i32
      %sign3A_164 = arith.subi %sign3A_160, %sign3A_163 : i32
      %ne3A_165 = arith.cmpi ne, %sign3A_157, %sign3A_164 : i32
      %rem3A_166 = arith.remsi %add3A_64, %jit3A_149 : i32
      %ne3A_167 = arith.constant 0 : i32
      %ne3A_168 = arith.cmpi ne, %rem3A_166, %ne3A_167 : i32
      %and3A_169 = arith.andi %ne3A_165, %ne3A_168 : i1
      %sub3A_170 = arith.constant 1 : i32
      %sub3A_171 = arith.subi %div3A_150, %sub3A_170 : i32
      %select_n3A_172 = arith.select %and3A_169, %sub3A_171, %div3A_150 : i32
      %mul3A_173 = arith.constant 8 : i32
      %mul3A_174 = arith.muli %select_n3A_172, %mul3A_173 : i32
      %sub3A_175 = arith.subi %add3A_64, %mul3A_174 : i32
      %mul3A_176 = arith.constant 786432 : i32
      %mul3A_177 = arith.muli %select_n3A_172, %mul3A_176 : i32
      %add3A_178 = arith.addi %mul3A_177, %mul3A_2 : i32
      %mul3A_179 = arith.constant 1024 : i32
      %mul3A_180 = arith.muli %sub3A_175, %mul3A_179 : i32
      %add3A_181 = arith.addi %add3A_178, %mul3A_180 : i32
      %dma_start3A_182 = tpu.memref_slice %arg4[%add3A_181] : memref<6291456xf32, #tpu.memory_space<hbm>> -> memref<1024xf32, #tpu.memory_space<hbm>>
      %dma_start3A_183 = tpu.memref_slice %arg4[%add3A_181] : memref<6291456xf32, #tpu.memory_space<hbm>> -> memref<1024xf32, #tpu.memory_space<hbm>>
      tpu.enqueue_dma source(%arg15 : memref<1024xf32, #tpu.memory_space<vmem>>) target(%dma_start3A_183 : memref<1024xf32, #tpu.memory_space<hbm>>) target_semaphore(%arg21 : memref<!tpu.dma_semaphore, #tpu.memory_space<semaphore_mem>>)
      %add3A_184 = arith.constant 262144 : i32
      %add3A_185 = arith.addi %add3A_181, %add3A_184 : i32
      %dma_start3A_186 = tpu.memref_slice %arg4[%add3A_185] : memref<6291456xf32, #tpu.memory_space<hbm>> -> memref<1024xf32, #tpu.memory_space<hbm>>
      %dma_start3A_187 = tpu.memref_slice %arg4[%add3A_185] : memref<6291456xf32, #tpu.memory_space<hbm>> -> memref<1024xf32, #tpu.memory_space<hbm>>
      tpu.enqueue_dma source(%arg16 : memref<1024xf32, #tpu.memory_space<vmem>>) target(%dma_start3A_187 : memref<1024xf32, #tpu.memory_space<hbm>>) target_semaphore(%arg21 : memref<!tpu.dma_semaphore, #tpu.memory_space<semaphore_mem>>)
      %add3A_188 = arith.constant 524288 : i32
      %add3A_189 = arith.addi %add3A_181, %add3A_188 : i32
      %dma_start3A_190 = tpu.memref_slice %arg4[%add3A_189] : memref<6291456xf32, #tpu.memory_space<hbm>> -> memref<1024xf32, #tpu.memory_space<hbm>>
      %dma_start3A_191 = tpu.memref_slice %arg4[%add3A_189] : memref<6291456xf32, #tpu.memory_space<hbm>> -> memref<1024xf32, #tpu.memory_space<hbm>>
      tpu.enqueue_dma source(%arg17 : memref<1024xf32, #tpu.memory_space<vmem>>) target(%dma_start3A_191 : memref<1024xf32, #tpu.memory_space<hbm>>) target_semaphore(%arg21 : memref<!tpu.dma_semaphore, #tpu.memory_space<semaphore_mem>>)
      %add3A_192 = arith.constant 2 : i32
      %add3A_193 = arith.addi %add3A_64, %add3A_192 : i32
      %lt3A_194 = arith.constant 64 : i32
      %lt3A_195 = arith.cmpi slt, %add3A_193, %lt3A_194 : i32
      %convert_element_type3A_196 = arith.extui %lt3A_195 : i1 to i32
      %cond3A_197 = arith.constant 0 : i32
      %cond3A_198 = arith.cmpi ne, %convert_element_type3A_196, %cond3A_197 : i32
      scf.if %cond3A_198 {
        %add3A_199 = arith.constant 2 : i32
        %add3A_200 = arith.addi %add3A_64, %add3A_199 : i32
        %jit3A_201 = arith.constant 8 : i32
        %div3A_202 = arith.divsi %add3A_200, %jit3A_201 : i32
        %sign3A_203 = arith.constant 0 : i32
        %sign3A_204 = arith.cmpi sgt, %add3A_200, %sign3A_203 : i32
        %sign3A_205 = arith.extui %sign3A_204 : i1 to i32
        %sign3A_206 = arith.constant 0 : i32
        %sign3A_207 = arith.cmpi slt, %add3A_200, %sign3A_206 : i32
        %sign3A_208 = arith.extui %sign3A_207 : i1 to i32
        %sign3A_209 = arith.subi %sign3A_205, %sign3A_208 : i32
        %sign3A_210 = arith.constant 0 : i32
        %sign3A_211 = arith.cmpi sgt, %jit3A_201, %sign3A_210 : i32
        %sign3A_212 = arith.extui %sign3A_211 : i1 to i32
        %sign3A_213 = arith.constant 0 : i32
        %sign3A_214 = arith.cmpi slt, %jit3A_201, %sign3A_213 : i32
        %sign3A_215 = arith.extui %sign3A_214 : i1 to i32
        %sign3A_216 = arith.subi %sign3A_212, %sign3A_215 : i32
        %ne3A_217 = arith.cmpi ne, %sign3A_209, %sign3A_216 : i32
        %rem3A_218 = arith.remsi %add3A_200, %jit3A_201 : i32
        %ne3A_219 = arith.constant 0 : i32
        %ne3A_220 = arith.cmpi ne, %rem3A_218, %ne3A_219 : i32
        %and3A_221 = arith.andi %ne3A_217, %ne3A_220 : i1
        %sub3A_222 = arith.constant 1 : i32
        %sub3A_223 = arith.subi %div3A_202, %sub3A_222 : i32
        %select_n3A_224 = arith.select %and3A_221, %sub3A_223, %div3A_202 : i32
        %mul3A_225 = arith.constant 8 : i32
        %mul3A_226 = arith.muli %select_n3A_224, %mul3A_225 : i32
        %sub3A_227 = arith.subi %add3A_200, %mul3A_226 : i32
        %mul3A_228 = arith.constant 786432 : i32
        %mul3A_229 = arith.muli %select_n3A_224, %mul3A_228 : i32
        %add3A_230 = arith.addi %mul3A_229, %mul3A_2 : i32
        %mul3A_231 = arith.constant 1024 : i32
        %mul3A_232 = arith.muli %sub3A_227, %mul3A_231 : i32
        %add3A_233 = arith.addi %add3A_230, %mul3A_232 : i32
        %dma_start3A_234 = tpu.memref_slice %arg3[%add3A_233] : memref<6291456xf32, #tpu.memory_space<hbm>> -> memref<1024xf32, #tpu.memory_space<hbm>>
        %dma_start3A_235 = tpu.memref_slice %arg3[%add3A_233] : memref<6291456xf32, #tpu.memory_space<hbm>> -> memref<1024xf32, #tpu.memory_space<hbm>>
        tpu.enqueue_dma source(%dma_start3A_235 : memref<1024xf32, #tpu.memory_space<hbm>>) target(%arg9 : memref<1024xf32, #tpu.memory_space<vmem>>) target_semaphore(%arg19 : memref<!tpu.dma_semaphore, #tpu.memory_space<semaphore_mem>>)
        %add3A_236 = arith.constant 262144 : i32
        %add3A_237 = arith.addi %add3A_233, %add3A_236 : i32
        %dma_start3A_238 = tpu.memref_slice %arg3[%add3A_237] : memref<6291456xf32, #tpu.memory_space<hbm>> -> memref<1024xf32, #tpu.memory_space<hbm>>
        %dma_start3A_239 = tpu.memref_slice %arg3[%add3A_237] : memref<6291456xf32, #tpu.memory_space<hbm>> -> memref<1024xf32, #tpu.memory_space<hbm>>
        tpu.enqueue_dma source(%dma_start3A_239 : memref<1024xf32, #tpu.memory_space<hbm>>) target(%arg10 : memref<1024xf32, #tpu.memory_space<vmem>>) target_semaphore(%arg19 : memref<!tpu.dma_semaphore, #tpu.memory_space<semaphore_mem>>)
        %add3A_240 = arith.constant 524288 : i32
        %add3A_241 = arith.addi %add3A_233, %add3A_240 : i32
        %dma_start3A_242 = tpu.memref_slice %arg3[%add3A_241] : memref<6291456xf32, #tpu.memory_space<hbm>> -> memref<1024xf32, #tpu.memory_space<hbm>>
        %dma_start3A_243 = tpu.memref_slice %arg3[%add3A_241] : memref<6291456xf32, #tpu.memory_space<hbm>> -> memref<1024xf32, #tpu.memory_space<hbm>>
        tpu.enqueue_dma source(%dma_start3A_243 : memref<1024xf32, #tpu.memory_space<hbm>>) target(%arg11 : memref<1024xf32, #tpu.memory_space<vmem>>) target_semaphore(%arg19 : memref<!tpu.dma_semaphore, #tpu.memory_space<semaphore_mem>>)
      } else {
      }
    }
    %scan3A_34 = arith.constant 32 : i32
    %dma_wait3A = arith.constant 0 : i32
    %dma_wait3A_35 = tpu.memref_slice %arg3[%dma_wait3A] : memref<6291456xf32, #tpu.memory_space<hbm>> -> memref<1024xf32, #tpu.memory_space<hbm>>
    %dma_wait3A_36 = arith.constant 0 : i32
    %dma_wait3A_37 = tpu.memref_slice %arg3[%dma_wait3A_36] : memref<6291456xf32, #tpu.memory_space<hbm>> -> memref<1024xf32, #tpu.memory_space<hbm>>
    tpu.wait_dma2 semaphore(%arg20 : memref<!tpu.dma_semaphore, #tpu.memory_space<semaphore_mem>>) src(%dma_wait3A_37 : memref<1024xf32, #tpu.memory_space<hbm>>) dst(%arg12 : memref<1024xf32, #tpu.memory_space<vmem>>)
    %dma_wait3A_38 = arith.constant 0 : i32
    %dma_wait3A_39 = tpu.memref_slice %arg3[%dma_wait3A_38] : memref<6291456xf32, #tpu.memory_space<hbm>> -> memref<1024xf32, #tpu.memory_space<hbm>>
    %dma_wait3A_40 = arith.constant 0 : i32
    %dma_wait3A_41 = tpu.memref_slice %arg3[%dma_wait3A_40] : memref<6291456xf32, #tpu.memory_space<hbm>> -> memref<1024xf32, #tpu.memory_space<hbm>>
    tpu.wait_dma2 semaphore(%arg20 : memref<!tpu.dma_semaphore, #tpu.memory_space<semaphore_mem>>) src(%dma_wait3A_41 : memref<1024xf32, #tpu.memory_space<hbm>>) dst(%arg12 : memref<1024xf32, #tpu.memory_space<vmem>>)
    %dma_wait3A_42 = arith.constant 0 : i32
    %dma_wait3A_43 = tpu.memref_slice %arg3[%dma_wait3A_42] : memref<6291456xf32, #tpu.memory_space<hbm>> -> memref<1024xf32, #tpu.memory_space<hbm>>
    %dma_wait3A_44 = arith.constant 0 : i32
    %dma_wait3A_45 = tpu.memref_slice %arg3[%dma_wait3A_44] : memref<6291456xf32, #tpu.memory_space<hbm>> -> memref<1024xf32, #tpu.memory_space<hbm>>
    tpu.wait_dma2 semaphore(%arg20 : memref<!tpu.dma_semaphore, #tpu.memory_space<semaphore_mem>>) src(%dma_wait3A_45 : memref<1024xf32, #tpu.memory_space<hbm>>) dst(%arg12 : memref<1024xf32, #tpu.memory_space<vmem>>)
    %dma_wait3A_46 = arith.constant 0 : i32
    %dma_wait3A_47 = tpu.memref_slice %arg3[%dma_wait3A_46] : memref<6291456xf32, #tpu.memory_space<hbm>> -> memref<1024xf32, #tpu.memory_space<hbm>>
    %dma_wait3A_48 = arith.constant 0 : i32
    %dma_wait3A_49 = tpu.memref_slice %arg3[%dma_wait3A_48] : memref<6291456xf32, #tpu.memory_space<hbm>> -> memref<1024xf32, #tpu.memory_space<hbm>>
    tpu.wait_dma2 semaphore(%arg21 : memref<!tpu.dma_semaphore, #tpu.memory_space<semaphore_mem>>) src(%dma_wait3A_49 : memref<1024xf32, #tpu.memory_space<hbm>>) dst(%arg15 : memref<1024xf32, #tpu.memory_space<vmem>>)
    %dma_wait3A_50 = arith.constant 0 : i32
    %dma_wait3A_51 = tpu.memref_slice %arg3[%dma_wait3A_50] : memref<6291456xf32, #tpu.memory_space<hbm>> -> memref<1024xf32, #tpu.memory_space<hbm>>
    %dma_wait3A_52 = arith.constant 0 : i32
    %dma_wait3A_53 = tpu.memref_slice %arg3[%dma_wait3A_52] : memref<6291456xf32, #tpu.memory_space<hbm>> -> memref<1024xf32, #tpu.memory_space<hbm>>
    tpu.wait_dma2 semaphore(%arg21 : memref<!tpu.dma_semaphore, #tpu.memory_space<semaphore_mem>>) src(%dma_wait3A_53 : memref<1024xf32, #tpu.memory_space<hbm>>) dst(%arg15 : memref<1024xf32, #tpu.memory_space<vmem>>)
    %dma_wait3A_54 = arith.constant 0 : i32
    %dma_wait3A_55 = tpu.memref_slice %arg3[%dma_wait3A_54] : memref<6291456xf32, #tpu.memory_space<hbm>> -> memref<1024xf32, #tpu.memory_space<hbm>>
    %dma_wait3A_56 = arith.constant 0 : i32
    %dma_wait3A_57 = tpu.memref_slice %arg3[%dma_wait3A_56] : memref<6291456xf32, #tpu.memory_space<hbm>> -> memref<1024xf32, #tpu.memory_space<hbm>>
    tpu.wait_dma2 semaphore(%arg21 : memref<!tpu.dma_semaphore, #tpu.memory_space<semaphore_mem>>) src(%dma_wait3A_57 : memref<1024xf32, #tpu.memory_space<hbm>>) dst(%arg15 : memref<1024xf32, #tpu.memory_space<vmem>>)
    return
  }
}

</mosaic_0001>

<sc_bundles>
// kernel: kernel.3.cloned.1.call-start
scs
__scs_entry_jumppad:
0x0: {  	(pc) =	sbr.rel $0x88, $3  }
0x1: {  	(tag) =	ssettag $0x0;
	lr =	simm.s32 $0x1  }
0x2: {  	[smem:$0x3F9F] =	sst lr;
	_ =	strace $0xD0000000  }
0x3: {  	_ = 	snop  }
0x4: {  	_ = 	snop  }
0x5: {  	_ = 	snop  }
0x6: {  	_ = 	snop  }
0x7: {  	_ = 	snop  }
__scs_overlays_trampoline_lowered:
0x8: {  	[smem:$0x3FAE] =	sst s0  }
0x9: {  	[smem:$0x3FAF] =	sst s1  }
0xa: {  	[smem:$0x3FB0] =	sst s2  }
0xb: {  	[smem:$0x3FB1] =	sst s3  }
0xc: {  	[smem:$0x3FB2] =	sst s4  }
0xd: {  	[smem:$0x3FB3] =	sst s5  }
0xe: {  	[smem:$0x3FB4] =	sst s6  }
0xf: {  	[smem:$0x3FB5] =	sst s7  }
0x10: {  	[smem:$0x3FB6] =	sst s8  }
0x11: {  	[smem:$0x3FB7] =	sst s9;
	s0 =	simm.s32 @!p0 $0x0  }
0x12: {  	s1 =	sld [smem:$0x3F9D];
	s0 =	simm.s32 @p0 $0x1  }
0x13: {  	[smem:$0x3FB8] =	sst s0;
	s0 =	simm.s32 @!p1 $0x0  }
0x14: {  	s2 =	sld [smem:$0x3F9C];
	s0 =	simm.s32 @p1 $0x1  }
0x15: {  	[smem:$0x3FB9] =	sst s0;
	s0 =	simm.s32 @!p2 $0x0  }
0x16: {  	s3 =	sld [smem:$0x3FDB];
	s0 =	simm.s32 @p2 $0x1  }
0x17: {  	s4 =	simm.s32 $0x1BF5;
	[smem:$0x3FBB] =	sst s0  }
0x18: {  	s0 =	sld [smem:$0x3F9E];
	_ =	swait.ge [sflag:s4], $0x0  }
0x19: {  	s7 =	sld [smem:$0x3F9F]  }
0x1a: {  	s8 =	sadd.s32 $0xFFFFE003, lr  }
0x1b: {  	s9 =	sadd.s32 $0xFFFFFEF7, lr;
	s5 =	simm.s32 $0xFFFFFFFF;
	p2 =	slt.u32 s8, $0xFFFFF086  }
0x1c: {  	p1 =	slt.u32 s9, $0xF7A;
	s5 =	simm.s32 @!p2 $0x0  }
0x1d: {  	s5 =	simm.s32 @p1 $0x1;
	p0 =	seq.s32 s7, s2  }
0x1e: {  	s7 =	smul.u32 @!p0 $0xF7A, s2;
	p2 =	seq.s32 @!p0 s5, $0x0  }
0x1f: {  	s9 =	smul.u32 $0xF7A, s1;
	s8 =	simm.s32 @!p0 $0x1BF5;
	p2 =	por !p2, p0  }
0x20: {  	[sflag:s8] =	ssyncset.s32 @!p0 $0xFFFFF086;
	s6 =	sadd.s32 @!p0 s3, s7;
	s7 =	simm.s32 @!p0 $0x108  }
0x21: {  	s3 =	sadd.s32 s3, s9;
	s6 =	sadd.s32 @!p0 $0x88, s6;
	s7 =	simm.s32 @p2 $0x1082  }
0x22: {  	[simem:s7], [sflag:s8] =	dma.local @!p0 [hbm:s6], $0xF7A  }
0x23: {  	s9 =	sor.u32 $0xD0000000, s2;
	s6 =	simm.s32 $0x108;
	_ =	swait.ge @!p0 [sflag:s8], $0x0  }
0x24: {  	s3 =	sadd.s32 $0x88, s3;
	s6 =	simm.s32 @!p1 $0x1082;
	[sflag:s4] =	ssyncset.s32 $0xFFFFF086  }
0x25: {  	[simem:s6], [sflag:s4] =	dma.local [hbm:s3], $0xF7A  }
0x26: {  	[smem:$0x3F9F] =	sst s1;
	(tag) =	ssettag s2;
	_ =	strace s9  }
0x27: {  	s1 =	sld [smem:$0x3FAF]  }
0x28: {  	s2 =	sld [smem:$0x3FB0]  }
0x29: {  	s4 =	sld [smem:$0x3FB2]  }
0x2a: {  	p0 =	seq.s32 s5, $0x0;
	s5 =	sld [smem:$0x3FB3]  }
0x2b: {  	s6 =	sld [smem:$0x3FB4]  }
0x2c: {  	s7 =	sld [smem:$0x3FB5]  }
0x2d: {  	s3 =	simm.s32 $0x108;
	s8 =	sld [smem:$0x3FB6]  }
0x2e: {  	s3 =	simm.s32 @!p0 $0x1082;
	s9 =	sld [smem:$0x3FB7]  }
0x2f: {  	lr =	sadd.s32 s0, s3;
	s0 =	sld [smem:$0x3FAE]  }
0x30: {  	s3 =	sld [smem:$0x3FB1]  }
0x31: {  	[smem:$0x3FBA] =	sst s10  }
0x32: {  	s10 =	sld [smem:$0x3FB8];
	_ =	sdelay $0x3  }
0x33: {  	p0 =	seq.s32 s10, $0x1;
	s10 =	sld [smem:$0x3FBA];
	_ =	sdelay $0x3  }
0x34: {  	[smem:$0x3FBA] =	sst s10  }
0x35: {  	s10 =	sld [smem:$0x3FB9];
	_ =	sdelay $0x3  }
0x36: {  	p1 =	seq.s32 s10, $0x1;
	s10 =	sld [smem:$0x3FBA];
	_ =	sdelay $0x3  }
0x37: {  	[smem:$0x3FBA] =	sst s10  }
0x38: {  	s10 =	sld [smem:$0x3FBB]  }
0x39: {  	_ = 	snop;
	(pc) =	sbr.ind lr, $3  }
0x3a: {  	_ = 	snop  }
0x3b: {  	_ = 	snop  }
0x3c: {  	p2 =	seq.s32 s10, $0x1;
	s10 =	sld [smem:$0x3FBA]  }
0x3d: {  	_ =	shalt  }
0x3e: {  	_ =	shalt  }
0x3f: {  	_ =	shalt  }
0x40: {  	_ =	shalt  }
0x41: {  	_ =	shalt  }
0x42: {  	_ =	shalt  }
0x43: {  	_ =	shalt  }
0x44: {  	_ =	shalt  }
0x45: {  	_ =	shalt  }
0x46: {  	_ =	shalt  }
0x47: {  	_ =	shalt  }
0x48: {  	_ =	shalt  }
0x49: {  	_ =	shalt  }
0x4a: {  	_ =	shalt  }
0x4b: {  	_ =	shalt  }
0x4c: {  	_ =	shalt  }
0x4d: {  	_ =	shalt  }
0x4e: {  	_ =	shalt  }
0x4f: {  	_ =	shalt  }
0x50: {  	_ =	shalt  }
0x51: {  	_ =	shalt  }
0x52: {  	_ =	shalt  }
0x53: {  	_ =	shalt  }
0x54: {  	_ =	shalt  }
0x55: {  	_ =	shalt  }
0x56: {  	_ =	shalt  }
0x57: {  	_ =	shalt  }
0x58: {  	_ =	shalt  }
0x59: {  	_ =	shalt  }
0x5a: {  	_ =	shalt  }
0x5b: {  	_ =	shalt  }
0x5c: {  	_ =	shalt  }
0x5d: {  	_ =	shalt  }
0x5e: {  	_ =	shalt  }
0x5f: {  	_ =	shalt  }
0x60: {  	_ =	shalt  }
0x61: {  	_ =	shalt  }
0x62: {  	_ =	shalt  }
0x63: {  	_ =	shalt  }
0x64: {  	_ =	shalt  }
0x65: {  	_ =	shalt  }
0x66: {  	_ =	shalt  }
0x67: {  	_ =	shalt  }
0x68: {  	_ =	shalt  }
0x69: {  	_ =	shalt  }
0x6a: {  	_ =	shalt  }
0x6b: {  	_ =	shalt  }
0x6c: {  	_ =	shalt  }
0x6d: {  	_ =	shalt  }
0x6e: {  	_ =	shalt  }
0x6f: {  	_ =	shalt  }
0x70: {  	_ =	shalt  }
0x71: {  	_ =	shalt  }
0x72: {  	_ =	shalt  }
0x73: {  	_ =	shalt  }
0x74: {  	_ =	shalt  }
0x75: {  	_ =	shalt  }
0x76: {  	_ =	shalt  }
0x77: {  	_ =	shalt  }
0x78: {  	_ =	shalt  }
0x79: {  	_ =	shalt  }
0x7a: {  	_ =	shalt  }
0x7b: {  	_ =	shalt  }
0x7c: {  	_ =	shalt  }
0x7d: {  	_ =	shalt  }
0x7e: {  	_ =	shalt  }
0x7f: {  	_ =	shalt  }
0x80: {  	_ =	shalt  }
0x81: {  	_ =	shalt  }
0x82: {  	_ =	shalt  }
0x83: {  	_ =	shalt  }
0x84: {  	_ =	shalt  }
0x85: {  	_ =	shalt  }
0x86: {  	_ =	shalt  }
0x87: {  	_ =	shalt  }
.Lfunc_end0:
.L_simem_size_0:
called_computation_lowered:
.L_overlay_start_0:
0x88: {  	s2 =	sld [smem:$0x3FD9]  }
0x89: {  	s3 =	sld [smem:$0x3FFE];
	_ =	sdelay $0x1  }
0x8a: {  	s1 =	srdreg.scid  }
0x8b: {  	s0 =	sand.u32 $0x1, s1  }
0x8c: {  	s14 =	sshll.u32 s0, $0xA;
	s2 =	sadd.s32 s3, s2  }
0x8d: {  	s2 =	sadd.s32 s2, s14  }
0x8e: {  	[smem:$0x3FC6] =	sst s2  }
0x8f: {  	_ = 	snop  }
0x90: {  	s2 =	sld [smem:$0x3FD0];
	_ =	sdelay $0x2  }
0x91: {  	s15 =	simm.s32 $0xA;
	s4 =	simm.s32 $0x10  }
0x92: {  	[smem:s4], [sflag:s15] =	dma.local [hbm:s2], $0x1  }
0x93: {  	_ =	swait.eq [sflag:s15], $0x1  }
0x94: {  	[sflag:s15] =	ssyncset.done $0x0  }
0x95: {  	s16 =	sld [smem:$0x10];
	[sflag:s15] =	ssyncadd.s32 $0xFFFFFFFF  }
0x96: {  	s17 =	sld [smem:$0x11];
	(tm) =	ssettm $0x1  }
0x97: {  	s18 =	sld [smem:$0x3FFB];
	_ =	sdelay $0x3  }
0x98: {  	_ =	strace s18  }
0x99: {  	s4 =	sld [smem:$0x3FFC];
	_ =	sdelay $0x3  }
0x9a: {  	_ =	strace s4  }
0x9b: {  	s4 =	sld [smem:$0x3FFD];
	_ =	sdelay $0x3  }
0x9c: {  	_ =	strace s4  }
0x9d: {  	_ =	strace $0x8FFFFFFF  }
0x9e: {  	s19 =	sld [smem:$0x3FDB];
	_ =	sdelay $0x1  }
0x9f: {  	s5 =	simm.s32 $_scs_section_size  }
0xa0: {  	s6 =	simm.s32 $_size__tile_overlayer_lowered;
	s7 =	simm.s32 $_tile_overlayer_lowered  }
0xa1: {  	s22 =	simm.s32 $0x1BFF;
	s21 =	sshll.u32 s7, $0x1;
	s4 =	sadd.s32 s5, s19  }
0xa2: {  	s8 =	simm.s32 $0x0;
	s20 =	sshll.u32 s6, $0x1;
	s6 =	sadd.s32 s21, s4  }
0xa3: {  	[timem:s8], [sflag:s22] =	dma.local [hbm:s6], s20  }
0xa4: {  	_ =	swait.ge [sflag:s22], s20  }
0xa5: {  	s5 =	ssub.s32 $0x0, s20;
	[sflag:s22] =	ssyncset.done $0x0  }
0xa6: {  	[sflag:s22] =	ssyncadd.s32 s5;
	_ =	sdelay $0x1  }
0xa7: {  	s23 =	simm.s32 $0x1B8B  }
0xa8: {  	_ =	swait.ge [sflag:s23], $0x1  }
0xa9: {  	[sflag:s23] =	ssyncset.done $0x0  }
0xaa: {  	s25 =	simm.s32 $0x1B8E;
	s24 =	sld [smem:$0x3FFE];
	[sflag:s23] =	ssyncadd.s32 $0xFFFFFFFF  }
0xab: {  	s26 =	simm.s32 $execute0_lowered;
	[smem:$0x3FD2] =	sst s25  }
0xac: {  	s6 =	sshll.u32 s26, $0x1;
	_ =	strace $0x80000046;
	[dreg:$0x1] =	wrdreg $0xFFFFFFFF  }
0xad: {  	s28 =	simm.s32 $_size_execute0_lowered;
	s4 =	sadd.s32 s4, s6;
	[dreg:$0x0] =	wrdreg $0x0  }
0xae: {  	s6 =	sshll.u32 s28, $0x1;
	[dreg:$0x2] =	wrdreg s4  }
0xaf: {  	[dreg:$0x3] =	wrdreg s6  }
0xb0: {  	[dreg:$0x4] =	wrdreg $0xC0  }
0xb1: {  	_ =	task [dreg:s8], $0x5FFFF  }
0xb2: {  	[dreg:$0x1] =	wrdreg $0xFFFFFFFF  }
0xb3: {  	[dreg:$0x0] =	wrdreg $0x60  }
0xb4: {  	[dreg:$0x2] =	wrdreg s16  }
0xb5: {  	[dreg:$0x3] =	wrdreg s17  }
0xb6: {  	[dreg:$0x4] =	wrdreg s24  }
0xb7: {  	[dreg:$0x5] =	wrdreg $0x9  }
0xb8: {  	_ =	task.clear_ibuf [dreg:s8], $0x6FFFF;
	_ =	strace $0x90000046  }
0xb9: {  	s29 =	simm.s32 $0x9;
	_ =	strace $0x80000048  }
0xba: {  	_ =	swait.ge [sflag:s29], $0x1  }
0xbb: {  	[sflag:s29] =	ssyncadd.s32 $0xFFFFFFFF  }
0xbc: {  	_ =	strace $0x90000048  }
0xbd: {  	_ =	sfence  }
0xbe: {  	s30 =	sld [smem:$0x0];
	_ =	sdelay $0x2  }
0xbf: {  	s31 =	sshll.u32 s1, $0xD;
	s1 =	sshrl.u32 s1, $0x2  }
0xc0: {  	s3 =	sand.u32 $0x4000, s31;
	s1 =	sadd.s32 s1, s30  }
0xc1: {  	s0 =	sor.u32 s3, s0;
	s1 =	sshll.u32 s1, $0x11  }
0xc2: {  	s0 =	sor.u32 s1, s0  }
0xc3: {  	s0 =	sadd.s32 $0x8F2B, s0  }
0xc4: {  	[sflag:s0] =	ssyncadd.remote.s32 $0x1  }
0xc5: {  	_ =	sfence.sel $0xFFFF  }
0xc6: {  	[dreg:$0x0] =	wrdreg $0xFFFFFFFF;
	(pc) =	sbr.abs _section_cstart, $3  }
0xc7: {  	[dreg:$0x1] =	wrdreg $0xFFFFFFFF  }
0xc8: {  	_ =	task.clear_ibuf [dreg:s8], $0x2FFFF;
	_ =	strace $0x9FFFFFFF  }
0xc9: {  	(tm) =	ssettm $0x7FFFFFFF  }
tec
execute0_lowered:
.L_overlay_start_1:
0x0: {  	(tag) =	ssettag $0x1  }
0x1: {  	s3 =	rddreg [dreg:$0x1]  }
0x2: {  	s0 =	rddreg [dreg:$0x2]  }
0x3: {  	s1 =	srdreg.scid;
	s2 =	stileid.u32  }
0x4: {  	s4 =	simm.s32 $0x0;
	s14 =	simm.s32 $0x5;
	s18 =	simm.s32 $0x1B180  }
0x5: {  	s19 =	simm.s32 $0x1B580;
	s20 =	simm.s32 $0x1B980;
	s28 =	simm.s32 $0x1CD80  }
0x6: {  	s29 =	simm.s32 $0x1D180;
	s30 =	simm.s32 $0x3;
	s1 =	sand.u32 $0x1, s1  }
0x7: {  	s31 =	simm.s32 $0x4;
	s2 =	sshll.u32 s2, $0xE;
	s5 =	sshll.u32 s1, $0xD  }
0x8: {  	[smem:$0x7FF] =	sst s4;
	s6 =	sadd.s32 $0x600, s0;
	s5 =	sor.u32 s5, s2  }
0x9: {  	s0 =	simm.s32 $0x0;
	s1 =	ssub.s32 $0x2, s1;
	s7 =	sshrl.u32 s5, $0x3  }
0xa: {  	_ =	strace $0x80000047;
	s21 =	sshrl.u32 s1, $0x1;
	s7 =	sadd.s32 s3, s7  }
0xb: {  	s22 =	ssub.s32 s1, s21;
	s21 =	simm.s32 $0x1;
	s23 =	sadd.s32 $0x8000, s7  }
.Ltmp0:
0xc: {  	s24 =	sadd.s32 $0x10000, s7;
	[dreg:$0x4] =	wrdreg s23;
	(pc) =	sbr.rel .LBB2_1-.Ltmp0, $4  }
0xd: {  	s13 =	smax.u32 s22, $0x1;
	s25 =	sadd.s32 $0x80, s7;
	[dreg:$0x5] =	wrdreg s24  }
0xe: {  	s22 =	simm.s32 $0x1BD80;
	s26 =	sadd.s32 $0x8080, s7;
	[dreg:$0x6] =	wrdreg s25  }
0xf: {  	s12 =	sadd.s32 $0x10080, s7;
	[dreg:$0x7] =	wrdreg s26;
	s23 =	simm.s32 $0x1C180  }
0x10: {  	s24 =	simm.s32 $0x1C580;
	s25 =	simm.s32 $0x2;
	s26 =	simm.s32 $0x1C980  }
.LBB2_8:
0x11: {  	_ =	swait.ge [sflag:s30], $0x400  }
0x12: {  	[sflag:s30] =	ssyncset.done $0x0  }
0x13: {  	[sflag:s30] =	ssyncadd.s32 $0xFFFFFC00  }
0x14: {  	_ =	swait.ge [sflag:s30], $0x400  }
0x15: {  	[sflag:s30] =	ssyncset.done $0x0  }
0x16: {  	[sflag:s30] =	ssyncadd.s32 $0xFFFFFC00  }
0x17: {  	_ =	swait.ge [sflag:s30], $0x400  }
0x18: {  	[sflag:s30] =	ssyncset.done $0x0  }
0x19: {  	[sflag:s30] =	ssyncadd.s32 $0xFFFFFC00  }
0x1a: {  	_ =	swait.ge [sflag:s31], $0x400  }
0x1b: {  	[sflag:s31] =	ssyncset.done $0x0  }
0x1c: {  	s0 =	sadd.s32 $0x1, s0;
	[sflag:s31] =	ssyncadd.s32 $0xFFFFFC00  }
0x1d: {  	p0 =	sne.s32 s0, s13;
	_ =	swait.ge [sflag:s31], $0x400  }
.Ltmp1:
0x1e: {  	[sflag:s31] =	ssyncset.done $0x0;
	(pc) =	sbr.rel @!p0 .LBB2_9-.Ltmp1, $4  }
0x1f: {  	[sflag:s31] =	ssyncadd.s32 $0xFFFFFC00  }
0x20: {  	_ =	swait.ge [sflag:s31], $0x400  }
0x21: {  	[sflag:s31] =	ssyncset.done $0x0  }
0x22: {  	[sflag:s31] =	ssyncadd.s32 $0xFFFFFC00  }
.LBB2_1:
0x23: {  	s1 =	rddreg [dreg:$0x0]  }
0x24: {  	[tilespmem:s4], [sflag:$0x5] =	stream.linear.gather [hbm4b:s1+s4], $0x1A580, $0x38;
	[tilespmem:$0x1D580] =	vst v63  }
0x25: {  	_ =	swait.ge [sflag:s14], $0x1A580  }
0x26: {  	[sflag:s14] =	ssyncset.done $0x0  }
0x27: {  	s9 =	simm.s32 $0x1A580;
	[sflag:s14] =	ssyncadd.s32 $0xFFFE5A80  }
0x28: {  	[tilespmem:s9], [sflag:$0x1] =	stream.linear.gather [hbm4b:s7+s4], $0x400, $0x38;
	[tilespmem:$0x1D580] =	vst v63  }
0x29: {  	s2 =	simm.s32 $0x1A980;
	s10 =	rddreg [dreg:$0x4]  }
0x2a: {  	[tilespmem:s2], [sflag:$0x1] =	stream.linear.gather [hbm4b:s10+s4], $0x400, $0x38;
	[tilespmem:$0x1D580] =	vst v63  }
0x2b: {  	s15 =	simm.s32 $0x1AD80;
	s11 =	rddreg [dreg:$0x5]  }
0x2c: {  	[tilespmem:s15], [sflag:$0x1] =	stream.linear.gather [hbm4b:s11+s4], $0x400, $0x38;
	[tilespmem:$0x1D580] =	vst v63  }
0x2d: {  	s16 =	rddreg [dreg:$0x6]  }
0x2e: {  	[tilespmem:s18], [sflag:$0x2] =	stream.linear.gather [hbm4b:s16+s4], $0x400, $0x38;
	[tilespmem:$0x1D580] =	vst v63  }
0x2f: {  	s17 =	rddreg [dreg:$0x7]  }
0x30: {  	[tilespmem:s19], [sflag:$0x2] =	stream.linear.gather [hbm4b:s17+s4], $0x400, $0x38;
	[tilespmem:$0x1D580] =	vst v63  }
0x31: {  	s2 =	simm.s32 $0x0  }
0x32: {  	[tilespmem:s20], [sflag:$0x2] =	stream.linear.gather [hbm4b:s12+s4], $0x400, $0x38;
	[tilespmem:$0x1D580] =	vst v63  }
.LBB2_2:
0x33: {  	_ =	swait.ge [sflag:s21], $0x400  }
0x34: {  	[sflag:s21] =	ssyncset.done $0x0  }
0x35: {  	[sflag:s21] =	ssyncadd.s32 $0xFFFFFC00  }
0x36: {  	_ =	swait.ge [sflag:s21], $0x400  }
0x37: {  	[sflag:s21] =	ssyncset.done $0x0  }
0x38: {  	[sflag:s21] =	ssyncadd.s32 $0xFFFFFC00  }
0x39: {  	_ =	swait.ge [sflag:s21], $0x400  }
0x3a: {  	p0 =	seq.s32 s2, $0x0;
	[sflag:s21] =	ssyncset.done $0x0  }
0x3b: {  	s1 =	simm.s32 @!p0 $0x3;
	[sflag:s21] =	ssyncadd.s32 $0xFFFFFC00  }
0x3c: {  	_ =	swait.ge @!p0 [sflag:s1], $0x400  }
0x3d: {  	[sflag:s1] =	ssyncset.done @!p0 $0x0  }
0x3e: {  	[sflag:s1] =	ssyncadd.s32 @!p0 $0xFFFFFC00  }
0x3f: {  	_ =	swait.ge @!p0 [sflag:s1], $0x400  }
0x40: {  	[sflag:s1] =	ssyncset.done @!p0 $0x0  }
0x41: {  	[sflag:s1] =	ssyncadd.s32 @!p0 $0xFFFFFC00  }
0x42: {  	_ =	swait.ge @!p0 [sflag:s1], $0x400  }
0x43: {  	[sflag:s1] =	ssyncset.done @!p0 $0x0  }
0x44: {  	s15 =	simm.s32 $0x0;
	[sflag:s1] =	ssyncadd.s32 @!p0 $0xFFFFFC00  }
0x45: {  	v0 =	vld [tilespmem:s15+$0x1A980]  }
0x46: {  	v1 =	vld [tilespmem:s15+$0x1AD80]  }
0x47: {  	v2 =	vld [tilespmem:s15+$0x1A580];
	_ =	sdelay $0x2  }
0x48: {  	v0 =	vmul.f32 $3.199996760e+01, v0  }
0x49: {  	v1 =	vmul.f32 $3.199996760e+01, v1  }
0x4a: {  	v3 =	vmul.f32 $3.199996760e+01, v2;
	v2 =	vtrunc.f32 v0  }
0x4b: {  	v4 =	vtrunc.f32 v1;
	v2 =	vcvt.f32.s32 v2  }
0x4c: {  	v5 =	vtrunc.f32 v3;
	v4 =	vcvt.f32.s32 v4  }
0x4d: {  	v5 =	vcvt.f32.s32 v5;
	v6 =	vmul.u32 $0x21, v2  }
0x4e: {  	v7 =	vmul.u32 $0x441, v4  }
0x4f: {  	v6 =	vadd.s32 v5, v6  }
0x50: {  	v6 =	vadd.s32 v7, v6  }
0x51: {  	v7 =	vadd.s32 $0x21, v6  }
0x52: {  	v8 =	vadd.s32 $0x8C89, v6  }
0x53: {  	v4 =	vcvt.s32.f32 v4;
	v2 =	vcvt.s32.f32 v2;
	v9 =	vadd.s32 $0x90CA, v6  }
0x54: {  	v10 =	vadd.s32 $0x441, v6  }
0x55: {  	v4 =	vsub.f32 v1, v4;
	v0 =	vsub.f32 v0, v2;
	v13 =	vadd.s32 $0x8C68, v6;
	v11 =	vld.idx.msk [tilespmem:v6+s4+$0x0], $0xffff  }
0x56: {  	v17 =	vadd.s32 $0x118F1, v6;
	v7 =	vld.idx.msk [tilespmem:v7+s4+$0x0], $0xffff  }
0x57: {  	v12 =	vadd.s32 $0x11D11, v6;
	v2 =	vsub.f32 $1.000000000e+00, v4;
	v14 =	vsub.f32 $1.000000000e+00, v0;
	v8 =	vld.idx.msk [tilespmem:v8+s4+$0x0], $0xffff  }
0x58: {  	v18 =	vcvt.s32.f32 v5;
	v15 =	vadd.s32 $0x90A9, v6;
	v9 =	vld.idx.msk [tilespmem:v9+s4+$0x0], $0xffff  }
0x59: {  	v16 =	vadd.s32 $0x118D0, v6;
	v5 =	vadd.s32 $0x462, v6;
	v1 =	vmul.f32 v2, v14;
	v10 =	vld.idx.msk [tilespmem:v10+s4+$0x0], $0xffff  }
0x5a: {  	v19 =	vadd.s32 $0x11D32, v6;
	v20 =	vmul.f32 v2, v0;
	v2 =	vmul.f32 v4, v0;
	v13 =	vld.idx.msk [tilespmem:v13+s4+$0x0], $0xffff  }
0x5b: {  	v4 =	vmul.f32 v4, v14;
	v14 =	vld.idx.msk [tilespmem:v17+s4+$0x0], $0xffff;
	v0 =	vshll.u32 v11, $0x10;
	v11 =	vmul.f32 v11, v1  }
0x5c: {  	v21 =	vld.idx.msk [tilespmem:v12+s4+$0x0], $0xffff;
	v6 =	vshll.u32 v7, $0x10;
	v7 =	vmul.f32 v7, v20;
	v12 =	vmul.f32 v0, v1  }
0x5d: {  	v0 =	vshll.u32 v8, $0x10;
	v22 =	vmul.f32 v8, v20;
	v8 =	vshll.u32 v9, $0x10  }
0x5e: {  	v17 =	vld.idx.msk [tilespmem:v5+s4+$0x0], $0xffff;
	v5 =	vmul.f32 v9, v2;
	v9 =	vshll.u32 v10, $0x10;
	v6 =	vmul.f32 v6, v20  }
0x5f: {  	v24 =	vmul.f32 v13, v1;
	v23 =	vmul.f32 v0, v20;
	v0 =	vsub.f32 v3, v18  }
0x60: {  	v18 =	vld.idx.msk [tilespmem:v19+s4+$0x0], $0xffff;
	v19 =	vshll.u32 v14, $0x10;
	v3 =	vadd.f32 v6, v12;
	v6 =	vmul.f32 v8, v2  }
0x61: {  	v8 =	vadd.f32 v7, v11;
	v7 =	vmul.f32 v10, v4;
	v12 =	vmul.f32 v21, v4  }
0x62: {  	v16 =	vld.idx.msk [tilespmem:v16+s4+$0x0], $0xffff;
	v11 =	vshll.u32 v13, $0x10;
	v10 =	vmul.f32 v9, v4;
	v13 =	vmul.f32 v14, v20  }
0x63: {  	v15 =	vld.idx.msk [tilespmem:v15+s4+$0x0], $0xffff;
	v9 =	vshll.u32 v21, $0x10;
	v14 =	vmul.f32 v17, v2;
	v21 =	vmul.f32 v11, v1  }
0x64: {  	v25 =	vshll.u32 v17, $0x10;
	v11 =	vmul.f32 v19, v20;
	v9 =	vmul.f32 v9, v4  }
0x65: {  	s8 =	simm.s32 $0x10;
	v19 =	vadd.f32 v14, v7;
	v7 =	vadd.f32 v23, v21;
	v21 =	vmul.f32 v18, v2  }
0x66: {  	s9 =	simm.s32 $0x80;
	s1 =	sshll.u32 s2, $0x1;
	v17 =	vld [tilespmem:s8+$0x1A980];
	v20 =	vmul.f32 v25, v2;
	v14 =	vadd.f32 v22, v24;
	v18 =	vshll.u32 v18, $0x10  }
.LBB2_3:
0x67: {  	p1 =	sne.s32 s9, $0xFC0;
	v22 =	vld [tilespmem:s8+$0x1AD80];
	v23 =	vshll.u32 v16, $0x10;
	v16 =	vmul.f32 v16, v1;
	v12 =	vadd.f32 v21, v12;
	s10 =	smov.u32 s9;
	s9 =	sadd.s32 $0x40, s9  }
0x68: {  	v24 =	vshll.u32 v15, $0x10;
	v8 =	vadd.f32 v8, v19;
	v15 =	vmul.f32 v15, v4;
	v21 =	vld [tilespmem:s8+$0x1A580]  }
0x69: {  	v4 =	vmul.f32 v24, v4;
	v1 =	vmul.f32 v23, v1;
	v13 =	vadd.f32 v13, v16  }
0x6a: {  	v2 =	vmul.f32 v18, v2;
	v10 =	vadd.f32 v20, v10;
	v5 =	vadd.f32 v5, v15  }
0x6b: {  	v4 =	vadd.f32 v6, v4;
	v1 =	vadd.f32 v11, v1;
	v15 =	vmul.f32 $3.199996760e+01, v17  }
0x6c: {  	v2 =	vadd.f32 v2, v9;
	v11 =	vadd.f32 v12, v13;
	v6 =	vmul.f32 $3.199996760e+01, v22  }
0x6d: {  	v5 =	vadd.f32 v5, v14;
	v9 =	vmul.f32 $3.199996760e+01, v21;
	v12 =	vtrunc.f32 v15  }
0x6e: {  	v3 =	vadd.f32 v10, v3;
	v12 =	vcvt.f32.s32 v12;
	v13 =	vtrunc.f32 v6  }
0x6f: {  	v4 =	vadd.f32 v4, v7;
	v1 =	vadd.f32 v2, v1;
	v10 =	vcvt.f32.s32 v13  }
0x70: {  	v3 =	vsub.f32 v3, v8;
	v2 =	vtrunc.f32 v9;
	v7 =	vmul.u32 $0x21, v12  }
0x71: {  	v1 =	vsub.f32 v1, v11;
	v13 =	vcvt.s32.f32 v10;
	v10 =	vmul.u32 $0x441, v10  }
0x72: {  	v3 =	vmul.f32 v3, v0;
	v4 =	vsub.f32 v4, v5;
	v2 =	vcvt.f32.s32 v2  }
0x73: {  	v1 =	vmul.f32 v1, v0;
	v6 =	vsub.f32 v6, v13  }
0x74: {  	v12 =	vcvt.s32.f32 v12;
	v0 =	vmul.f32 v4, v0;
	v7 =	vadd.s32 v2, v7  }
0x75: {  	v3 =	vadd.f32 v3, v8;
	v1 =	vadd.f32 v1, v11;
	v4 =	vadd.s32 v10, v7  }
0x76: {  	v0 =	vadd.f32 v0, v5;
	v7 =	vadd.s32 $0x21, v4;
	v8 =	vadd.s32 $0x441, v4  }
0x77: {  	v10 =	vadd.s32 $0x8C68, v4;
	v11 =	vadd.s32 $0x8C89, v4;
	v5 =	vsub.f32 $1.000000000e+00, v6;
	[tilespmem:s15+$0x1BD80] =	vst v3  }
0x78: {  	v13 =	vadd.s32 $0x90A9, v4;
	v14 =	vadd.s32 $0x118D0, v4;
	v3 =	vadd.s32 $0x90CA, v4;
	[tilespmem:s15+$0x1C180] =	vst v0  }
0x79: {  	v0 =	vsub.f32 v15, v12;
	v12 =	vadd.s32 $0x118F1, v4;
	v15 =	vadd.s32 $0x11D32, v4;
	[tilespmem:s15+$0x1C580] =	vst v1;
	s15 =	smov.u32 s8  }
0x7a: {  	v16 =	vcvt.s32.f32 v2;
	v18 =	vadd.s32 $0x11D11, v4;
	v17 =	vld.idx.msk [tilespmem:v4+s4+$0x0], $0xffff  }
0x7b: {  	v19 =	vsub.f32 $1.000000000e+00, v0;
	v7 =	vld.idx.msk [tilespmem:v7+s4+$0x0], $0xffff  }
0x7c: {  	v20 =	vadd.s32 $0x462, v4;
	v11 =	vld.idx.msk [tilespmem:v11+s4+$0x0], $0xffff  }
0x7d: {  	v1 =	vmul.f32 v5, v19;
	v3 =	vld.idx.msk [tilespmem:v3+s4+$0x0], $0xffff  }
0x7e: {  	v21 =	vmul.f32 v5, v0;
	v22 =	vld.idx.msk [tilespmem:v8+s4+$0x0], $0xffff  }
0x7f: {  	v2 =	vmul.f32 v6, v0;
	v18 =	vld.idx.msk [tilespmem:v18+s4+$0x0], $0xffff  }
0x80: {  	v4 =	vmul.f32 v6, v19;
	v0 =	vshll.u32 v17, $0x10;
	v8 =	vmul.f32 v17, v1;
	v10 =	vld.idx.msk [tilespmem:v10+s4+$0x0], $0xffff  }
0x81: {  	v5 =	vshll.u32 v7, $0x10;
	v7 =	vmul.f32 v7, v21;
	v6 =	vmul.f32 v0, v1;
	v17 =	vld.idx.msk [tilespmem:v12+s4+$0x0], $0xffff  }
0x82: {  	v0 =	vshll.u32 v11, $0x10;
	v12 =	vmul.f32 v5, v21;
	v23 =	vmul.f32 v11, v21;
	v19 =	vld.idx.msk [tilespmem:v20+s4+$0x0], $0xffff  }
0x83: {  	v11 =	vshll.u32 v3, $0x10;
	v5 =	vmul.f32 v3, v2;
	v20 =	vmul.f32 v0, v21  }
0x84: {  	v0 =	vsub.f32 v9, v16;
	v3 =	vadd.f32 v12, v6;
	v6 =	vmul.f32 v11, v2;
	v24 =	vld.idx.msk [tilespmem:v15+s4+$0x0], $0xffff  }
0x85: {  	v8 =	vadd.f32 v7, v8;
	v7 =	vmul.f32 v22, v4;
	v12 =	vmul.f32 v18, v4  }
0x86: {  	v9 =	vshll.u32 v22, $0x10;
	v11 =	vshll.u32 v10, $0x10;
	v16 =	vld.idx.msk [tilespmem:v14+s4+$0x0], $0xffff;
	v14 =	vmul.f32 v10, v1  }
.Ltmp2:
0x87: {  	v22 =	vshll.u32 v17, $0x10;
	v10 =	vmul.f32 v9, v4;
	v15 =	vld.idx.msk [tilespmem:v13+s4+$0x0], $0xffff;
	v13 =	vmul.f32 v17, v21;
	(pc) =	sbr.rel @p1 .LBB2_3-.Ltmp2, $4  }
0x88: {  	v9 =	vshll.u32 v18, $0x10;
	v18 =	vmul.f32 v11, v1;
	v17 =	vmul.f32 v19, v2  }
0x89: {  	v25 =	vshll.u32 v19, $0x10;
	v11 =	vmul.f32 v22, v21;
	v9 =	vmul.f32 v9, v4  }
0x8a: {  	s8 =	sshra.s32 s10, $0x2;
	v19 =	vadd.f32 v17, v7;
	v7 =	vadd.f32 v20, v18;
	v21 =	vmul.f32 v24, v2  }
0x8b: {  	v14 =	vadd.f32 v23, v14;
	v18 =	vshll.u32 v24, $0x10;
	v20 =	vmul.f32 v25, v2;
	v17 =	vld [tilespmem:s8+$0x1A980]  }
0x8c: {  	v23 =	vshll.u32 v16, $0x10;
	v16 =	vmul.f32 v16, v1;
	v12 =	vadd.f32 v21, v12  }
0x8d: {  	v22 =	vld [tilespmem:s8+$0x1AD80];
	v24 =	vshll.u32 v15, $0x10;
	v15 =	vmul.f32 v15, v4;
	v8 =	vadd.f32 v8, v19  }
0x8e: {  	v21 =	vld [tilespmem:s8+$0x1A580];
	v2 =	vmul.f32 v18, v2;
	v4 =	vmul.f32 v24, v4;
	v10 =	vadd.f32 v20, v10  }
0x8f: {  	v1 =	vmul.f32 v23, v1;
	v13 =	vadd.f32 v13, v16;
	v5 =	vadd.f32 v5, v15  }
0x90: {  	v2 =	vadd.f32 v2, v9;
	v4 =	vadd.f32 v6, v4  }
0x91: {  	v1 =	vadd.f32 v11, v1;
	v3 =	vadd.f32 v10, v3;
	v15 =	vmul.f32 $3.199996760e+01, v17  }
0x92: {  	v11 =	vadd.f32 v12, v13;
	v5 =	vadd.f32 v5, v14;
	v6 =	vmul.f32 $3.199996760e+01, v22  }
0x93: {  	v9 =	vmul.f32 $3.199996760e+01, v21;
	v4 =	vadd.f32 v4, v7;
	v12 =	vtrunc.f32 v15  }
0x94: {  	v1 =	vadd.f32 v2, v1;
	v13 =	vtrunc.f32 v6;
	v10 =	vcvt.f32.s32 v12  }
0x95: {  	v3 =	vsub.f32 v3, v8;
	v2 =	vtrunc.f32 v9;
	v12 =	vcvt.f32.s32 v13  }
0x96: {  	v4 =	vsub.f32 v4, v5;
	v2 =	vcvt.f32.s32 v2;
	v7 =	vmul.u32 $0x21, v10  }
0x97: {  	v1 =	vsub.f32 v1, v11;
	v3 =	vmul.f32 v3, v0;
	v13 =	vmul.u32 $0x441, v12  }
0x98: {  	v4 =	vmul.f32 v4, v0;
	v7 =	vadd.s32 v2, v7  }
0x99: {  	v0 =	vmul.f32 v1, v0;
	v3 =	vadd.f32 v3, v8;
	v1 =	vadd.s32 v13, v7  }
0x9a: {  	v4 =	vadd.f32 v4, v5;
	v7 =	vadd.s32 $0x21, v1  }
0x9b: {  	v0 =	vadd.f32 v0, v11;
	[tilespmem:s15+$0x1BD80] =	vst v3;
	v5 =	vadd.s32 $0x8C89, v1  }
0x9c: {  	v8 =	vcvt.s32.f32 v10;
	v3 =	vcvt.s32.f32 v12;
	v10 =	vadd.s32 $0x90CA, v1;
	[tilespmem:s15+$0x1C180] =	vst v4  }
0x9d: {  	[tilespmem:s15+$0x1C580] =	vst v0;
	v13 =	vadd.s32 $0x118F1, v1  }
0x9e: {  	v0 =	vsub.f32 v6, v3;
	v16 =	vadd.s32 $0x462, v1;
	v6 =	vld.idx.msk [tilespmem:v1+s4+$0x0], $0xffff  }
0x9f: {  	v3 =	vsub.f32 v15, v8;
	v7 =	vld.idx.msk [tilespmem:v7+s4+$0x0], $0xffff  }
0xa0: {  	v2 =	vcvt.s32.f32 v2;
	v4 =	vadd.s32 $0x441, v1;
	v5 =	vld.idx.msk [tilespmem:v5+s4+$0x0], $0xffff  }
0xa1: {  	v8 =	vadd.s32 $0x11D11, v1;
	v12 =	vsub.f32 $1.000000000e+00, v0;
	v14 =	vsub.f32 $1.000000000e+00, v3;
	v10 =	vld.idx.msk [tilespmem:v10+s4+$0x0], $0xffff  }
0xa2: {  	v11 =	vadd.s32 $0x8C68, v1;
	v15 =	vadd.s32 $0x90A9, v1;
	v17 =	vadd.s32 $0x118D0, v1;
	v13 =	vld.idx.msk [tilespmem:v13+s4+$0x0], $0xffff  }
0xa3: {  	v2 =	vsub.f32 v9, v2;
	v18 =	vmul.f32 v12, v14;
	v12 =	vmul.f32 v12, v3;
	v16 =	vld.idx.msk [tilespmem:v16+s4+$0x0], $0xffff  }
0xa4: {  	v1 =	vadd.s32 $0x11D32, v1;
	v3 =	vmul.f32 v0, v3;
	v0 =	vmul.f32 v0, v14  }
0xa5: {  	v4 =	vld.idx.msk [tilespmem:v4+s4+$0x0], $0xffff;
	v14 =	vshll.u32 v6, $0x10;
	v6 =	vmul.f32 v6, v18;
	v19 =	vshll.u32 v7, $0x10  }
0xa6: {  	v8 =	vld.idx.msk [tilespmem:v8+s4+$0x0], $0xffff;
	v7 =	vmul.f32 v7, v12;
	v14 =	vmul.f32 v14, v18;
	v20 =	vshll.u32 v5, $0x10  }
0xa7: {  	v11 =	vld.idx.msk [tilespmem:v11+s4+$0x0], $0xffff;
	v5 =	vmul.f32 v5, v12;
	v21 =	vshll.u32 v10, $0x10;
	v10 =	vmul.f32 v10, v3  }
0xa8: {  	v22 =	vshll.u32 v13, $0x10;
	v13 =	vmul.f32 v13, v12;
	v23 =	vmul.f32 v16, v3  }
0xa9: {  	v16 =	vshll.u32 v16, $0x10;
	v19 =	vmul.f32 v19, v12;
	v20 =	vmul.f32 v20, v12  }
0xaa: {  	v17 =	vld.idx.msk [tilespmem:v17+s4+$0x0], $0xffff;
	v12 =	vmul.f32 v22, v12;
	v16 =	vmul.f32 v16, v3;
	v6 =	vadd.f32 v7, v6  }
0xab: {  	v7 =	vmul.f32 v4, v0;
	v4 =	vshll.u32 v4, $0x10;
	v9 =	vadd.f32 v19, v14  }
0xac: {  	v1 =	vld.idx.msk [tilespmem:v1+s4+$0x0], $0xffff;
	v14 =	vmul.f32 v21, v3;
	v19 =	vmul.f32 v8, v0;
	v21 =	vshll.u32 v11, $0x10  }
0xad: {  	v15 =	vld.idx.msk [tilespmem:v15+s4+$0x0], $0xffff;
	v11 =	vmul.f32 v11, v18;
	v4 =	vmul.f32 v4, v0;
	v8 =	vshll.u32 v8, $0x10  }
0xae: {  	v21 =	vmul.f32 v21, v18;
	v8 =	vmul.f32 v8, v0  }
0xaf: {  	v7 =	vadd.f32 v23, v7;
	v5 =	vadd.f32 v5, v11;
	v11 =	vshll.u32 v17, $0x10  }
0xb0: {  	v17 =	vmul.f32 v17, v18;
	v4 =	vadd.f32 v16, v4;
	v20 =	vadd.f32 v20, v21  }
0xb1: {  	v21 =	vmul.f32 v1, v3;
	v1 =	vshll.u32 v1, $0x10;
	v6 =	vadd.f32 v6, v7  }
0xb2: {  	v7 =	vmul.f32 v15, v0;
	v11 =	vmul.f32 v11, v18;
	v13 =	vadd.f32 v13, v17  }
0xb3: {  	v1 =	vmul.f32 v1, v3;
	v19 =	vadd.f32 v21, v19;
	v21 =	vshll.u32 v15, $0x10  }
0xb4: {  	v4 =	vadd.f32 v4, v9;
	v7 =	vadd.f32 v10, v7;
	v0 =	vmul.f32 v21, v0  }
0xb5: {  	v3 =	vadd.f32 v12, v11;
	v1 =	vadd.f32 v1, v8  }
0xb6: {  	v10 =	vadd.f32 v19, v13;
	v0 =	vadd.f32 v14, v0  }
0xb7: {  	v5 =	vadd.f32 v7, v5;
	v1 =	vadd.f32 v1, v3  }
0xb8: {  	v3 =	vsub.f32 v4, v6;
	v0 =	vadd.f32 v0, v20  }
0xb9: {  	v1 =	vsub.f32 v1, v10  }
0xba: {  	s9 =	sshrl.u32 s2, $0x2;
	v3 =	vmul.f32 v3, v2;
	v0 =	vsub.f32 v0, v5  }
0xbb: {  	s10 =	smul.u32 $0xC0000, s9;
	v1 =	vmul.f32 v1, v2  }
0xbc: {  	s17 =	sshll.u32 s2, $0xB;
	s16 =	sshll.u32 s9, $0xD;
	v0 =	vmul.f32 v0, v2;
	v2 =	vadd.f32 v3, v6  }
0xbd: {  	s9 =	ssub.s32 s17, s16;
	s15 =	sor.u32 s5, s10;
	v1 =	vadd.f32 v1, v10  }
0xbe: {  	s9 =	sadd.s32 s9, s15;
	v0 =	vadd.f32 v0, v5;
	[tilespmem:s8+$0x1BD80] =	vst v2  }
0xbf: {  	s11 =	sshrl.u32 s9, $0x3;
	s10 =	sadd.s32 $0x40000, s9;
	[tilespmem:s8+$0x1C580] =	vst v1  }
0xc0: {  	s11 =	sadd.s32 s6, s11;
	[tilespmem:s8+$0x1C180] =	vst v0;
	s8 =	sshrl.u32 s10, $0x3  }
0xc1: {  	[hbm4b:s11+s4] =	stream.linear.scatter [tilespmem:s22], [sflag:$0x3], $0x400, $0x38;
	[tilespmem:$0x1D580] =	vst v63  }
0xc2: {  	s8 =	sadd.s32 s6, s8;
	s11 =	sadd.s32 $0x80000, s9  }
0xc3: {  	[hbm4b:s8+s4] =	stream.linear.scatter [tilespmem:s23], [sflag:$0x3], $0x400, $0x38;
	[tilespmem:$0x1D580] =	vst v63  }
0xc4: {  	s8 =	sshrl.u32 s11, $0x3  }
0xc5: {  	p1 =	seq.s32 s2, $0x1F;
	s8 =	sadd.s32 s6, s8  }
0xc6: {  	[hbm4b:s8+s4] =	stream.linear.scatter [tilespmem:s24], [sflag:$0x3], $0x400, $0x38;
	[tilespmem:$0x1D580] =	vst v63  }
0xc7: {  	s8 =	sadd.s32 @!p1 $0x2, s1  }
0xc8: {  	s9 =	sshrl.u32 @!p1 s8, $0x3  }
0xc9: {  	s10 =	smul.u32 @!p1 $0xC0000, s9  }
0xca: {  	s8 =	sshll.u32 @!p1 s8, $0xA;
	s9 =	sshll.u32 @!p1 s9, $0xD  }
0xcb: {  	s8 =	ssub.s32 @!p1 s8, s9;
	s10 =	sor.u32 @!p1 s5, s10  }
0xcc: {  	s8 =	sadd.s32 @!p1 s8, s10  }
0xcd: {  	s9 =	sshrl.u32 @!p1 s8, $0x3  }
0xce: {  	s11 =	simm.s32 @!p1 $0x1A580;
	s10 =	simm.s32 @!p1 $0x0;
	s9 =	sadd.s32 @!p1 s3, s9  }
0xcf: {  	[tilespmem:s11], [sflag:$0x1] =	stream.linear.gather @!p1 [hbm4b:s9+s10], $0x400, $0x38;
	[tilespmem:$0x1D580] =	vst v63  }
0xd0: {  	s9 =	sadd.s32 @!p1 $0x40000, s8  }
0xd1: {  	s8 =	sadd.s32 @!p1 $0x80000, s8;
	s9 =	sshrl.u32 @!p1 s9, $0x3  }
0xd2: {  	s11 =	simm.s32 @!p1 $0x1A980;
	s8 =	sshrl.u32 @!p1 s8, $0x3;
	s9 =	sadd.s32 @!p1 s3, s9  }
0xd3: {  	[tilespmem:s11], [sflag:$0x1] =	stream.linear.gather @!p1 [hbm4b:s9+s10], $0x400, $0x38;
	[tilespmem:$0x1D580] =	vst v63  }
0xd4: {  	s8 =	sadd.s32 @!p1 s3, s8;
	s9 =	simm.s32 @!p1 $0x1AD80  }
0xd5: {  	[tilespmem:s9], [sflag:$0x1] =	stream.linear.gather @!p1 [hbm4b:s8+s10], $0x400, $0x38;
	[tilespmem:$0x1D580] =	vst v63  }
0xd6: {  	_ =	swait.ge [sflag:s25], $0x400  }
0xd7: {  	[sflag:s25] =	ssyncset.done $0x0  }
0xd8: {  	[sflag:s25] =	ssyncadd.s32 $0xFFFFFC00  }
0xd9: {  	_ =	swait.ge [sflag:s25], $0x400  }
0xda: {  	[sflag:s25] =	ssyncset.done $0x0  }
0xdb: {  	[sflag:s25] =	ssyncadd.s32 $0xFFFFFC00  }
0xdc: {  	_ =	swait.ge [sflag:s25], $0x400  }
0xdd: {  	[sflag:s25] =	ssyncset.done $0x0  }
0xde: {  	s8 =	simm.s32 @!p0 $0x4;
	[sflag:s25] =	ssyncadd.s32 $0xFFFFFC00  }
0xdf: {  	_ =	swait.ge @!p0 [sflag:s8], $0x400  }
0xe0: {  	[sflag:s8] =	ssyncset.done @!p0 $0x0  }
0xe1: {  	[sflag:s8] =	ssyncadd.s32 @!p0 $0xFFFFFC00  }
0xe2: {  	_ =	swait.ge @!p0 [sflag:s8], $0x400  }
0xe3: {  	[sflag:s8] =	ssyncset.done @!p0 $0x0  }
0xe4: {  	[sflag:s8] =	ssyncadd.s32 @!p0 $0xFFFFFC00  }
0xe5: {  	_ =	swait.ge @!p0 [sflag:s8], $0x400  }
0xe6: {  	[sflag:s8] =	ssyncset.done @!p0 $0x0  }
0xe7: {  	[sflag:s8] =	ssyncadd.s32 @!p0 $0xFFFFFC00;
	s8 =	simm.s32 $0x0  }
0xe8: {  	v0 =	vld [tilespmem:s8+$0x1B580]  }
0xe9: {  	v1 =	vld [tilespmem:s8+$0x1B980]  }
0xea: {  	v2 =	vld [tilespmem:s8+$0x1B180];
	_ =	sdelay $0x2  }
0xeb: {  	v0 =	vmul.f32 $3.199996760e+01, v0  }
0xec: {  	v1 =	vmul.f32 $3.199996760e+01, v1  }
0xed: {  	v3 =	vmul.f32 $3.199996760e+01, v2;
	v2 =	vtrunc.f32 v0  }
0xee: {  	v4 =	vtrunc.f32 v1;
	v2 =	vcvt.f32.s32 v2  }
0xef: {  	v5 =	vtrunc.f32 v3;
	v4 =	vcvt.f32.s32 v4  }
0xf0: {  	v5 =	vcvt.f32.s32 v5;
	v6 =	vmul.u32 $0x21, v2  }
0xf1: {  	v7 =	vmul.u32 $0x441, v4  }
0xf2: {  	v6 =	vadd.s32 v5, v6  }
0xf3: {  	v6 =	vadd.s32 v7, v6  }
0xf4: {  	v7 =	vadd.s32 $0x21, v6  }
0xf5: {  	v8 =	vadd.s32 $0x8C89, v6  }
0xf6: {  	v4 =	vcvt.s32.f32 v4;
	v2 =	vcvt.s32.f32 v2;
	v9 =	vadd.s32 $0x90CA, v6  }
0xf7: {  	v10 =	vadd.s32 $0x441, v6  }
0xf8: {  	v4 =	vsub.f32 v1, v4;
	v0 =	vsub.f32 v0, v2;
	v13 =	vadd.s32 $0x8C68, v6;
	v11 =	vld.idx.msk [tilespmem:v6+s4+$0x0], $0xffff  }
0xf9: {  	v17 =	vadd.s32 $0x118F1, v6;
	v7 =	vld.idx.msk [tilespmem:v7+s4+$0x0], $0xffff  }
0xfa: {  	v12 =	vadd.s32 $0x11D11, v6;
	v2 =	vsub.f32 $1.000000000e+00, v4;
	v14 =	vsub.f32 $1.000000000e+00, v0;
	v8 =	vld.idx.msk [tilespmem:v8+s4+$0x0], $0xffff  }
0xfb: {  	v18 =	vcvt.s32.f32 v5;
	v15 =	vadd.s32 $0x90A9, v6;
	v9 =	vld.idx.msk [tilespmem:v9+s4+$0x0], $0xffff  }
0xfc: {  	v16 =	vadd.s32 $0x118D0, v6;
	v5 =	vadd.s32 $0x462, v6;
	v1 =	vmul.f32 v2, v14;
	v10 =	vld.idx.msk [tilespmem:v10+s4+$0x0], $0xffff  }
0xfd: {  	v19 =	vadd.s32 $0x11D32, v6;
	v20 =	vmul.f32 v2, v0;
	v2 =	vmul.f32 v4, v0;
	v13 =	vld.idx.msk [tilespmem:v13+s4+$0x0], $0xffff  }
0xfe: {  	v4 =	vmul.f32 v4, v14;
	v14 =	vld.idx.msk [tilespmem:v17+s4+$0x0], $0xffff;
	v0 =	vshll.u32 v11, $0x10;
	v11 =	vmul.f32 v11, v1  }
0xff: {  	v21 =	vld.idx.msk [tilespmem:v12+s4+$0x0], $0xffff;
	v6 =	vshll.u32 v7, $0x10;
	v7 =	vmul.f32 v7, v20;
	v12 =	vmul.f32 v0, v1  }
0x100: {  	v0 =	vshll.u32 v8, $0x10;
	v22 =	vmul.f32 v8, v20;
	v8 =	vshll.u32 v9, $0x10  }
0x101: {  	v17 =	vld.idx.msk [tilespmem:v5+s4+$0x0], $0xffff;
	v5 =	vmul.f32 v9, v2;
	v9 =	vshll.u32 v10, $0x10;
	v6 =	vmul.f32 v6, v20  }
0x102: {  	v63 =	vmul.f32 v13, v1;
	v23 =	vmul.f32 v0, v20;
	v0 =	vsub.f32 v3, v18  }
0x103: {  	v18 =	vld.idx.msk [tilespmem:v19+s4+$0x0], $0xffff;
	v19 =	vshll.u32 v14, $0x10;
	v3 =	vadd.f32 v6, v12;
	v6 =	vmul.f32 v8, v2  }
0x104: {  	v8 =	vadd.f32 v7, v11;
	v7 =	vmul.f32 v10, v4;
	v12 =	vmul.f32 v21, v4  }
0x105: {  	v16 =	vld.idx.msk [tilespmem:v16+s4+$0x0], $0xffff;
	v11 =	vshll.u32 v13, $0x10;
	v10 =	vmul.f32 v9, v4;
	v13 =	vmul.f32 v14, v20  }
0x106: {  	v15 =	vld.idx.msk [tilespmem:v15+s4+$0x0], $0xffff;
	v9 =	vshll.u32 v21, $0x10;
	v14 =	vmul.f32 v17, v2;
	v21 =	vmul.f32 v11, v1  }
0x107: {  	v25 =	vshll.u32 v17, $0x10;
	v11 =	vmul.f32 v19, v20;
	v9 =	vmul.f32 v9, v4  }
0x108: {  	s9 =	simm.s32 $0x10;
	v19 =	vadd.f32 v14, v7;
	v7 =	vadd.f32 v23, v21;
	v21 =	vmul.f32 v18, v2  }
0x109: {  	s10 =	simm.s32 $0x80;
	v17 =	vld [tilespmem:s9+$0x1B580];
	v20 =	vmul.f32 v25, v2;
	v14 =	vadd.f32 v22, v63;
	v18 =	vshll.u32 v18, $0x10  }
.LBB2_5:
0x10a: {  	p0 =	sne.s32 s10, $0xFC0;
	v22 =	vld [tilespmem:s9+$0x1B980];
	v23 =	vshll.u32 v16, $0x10;
	v16 =	vmul.f32 v16, v1;
	v12 =	vadd.f32 v21, v12;
	s11 =	smov.u32 s10;
	s10 =	sadd.s32 $0x40, s10  }
0x10b: {  	v24 =	vshll.u32 v15, $0x10;
	v8 =	vadd.f32 v8, v19;
	v15 =	vmul.f32 v15, v4;
	v21 =	vld [tilespmem:s9+$0x1B180]  }
0x10c: {  	v4 =	vmul.f32 v24, v4;
	v1 =	vmul.f32 v23, v1;
	v13 =	vadd.f32 v13, v16  }
0x10d: {  	v2 =	vmul.f32 v18, v2;
	v10 =	vadd.f32 v20, v10;
	v5 =	vadd.f32 v5, v15  }
0x10e: {  	v4 =	vadd.f32 v6, v4;
	v1 =	vadd.f32 v11, v1;
	v15 =	vmul.f32 $3.199996760e+01, v17  }
0x10f: {  	v2 =	vadd.f32 v2, v9;
	v11 =	vadd.f32 v12, v13;
	v6 =	vmul.f32 $3.199996760e+01, v22  }
0x110: {  	v5 =	vadd.f32 v5, v14;
	v9 =	vmul.f32 $3.199996760e+01, v21;
	v12 =	vtrunc.f32 v15  }
0x111: {  	v3 =	vadd.f32 v10, v3;
	v12 =	vcvt.f32.s32 v12;
	v13 =	vtrunc.f32 v6  }
0x112: {  	v4 =	vadd.f32 v4, v7;
	v1 =	vadd.f32 v2, v1;
	v10 =	vcvt.f32.s32 v13  }
0x113: {  	v3 =	vsub.f32 v3, v8;
	v2 =	vtrunc.f32 v9;
	v7 =	vmul.u32 $0x21, v12  }
0x114: {  	v1 =	vsub.f32 v1, v11;
	v13 =	vcvt.s32.f32 v10;
	v10 =	vmul.u32 $0x441, v10  }
0x115: {  	v3 =	vmul.f32 v3, v0;
	v4 =	vsub.f32 v4, v5;
	v2 =	vcvt.f32.s32 v2  }
0x116: {  	v1 =	vmul.f32 v1, v0;
	v6 =	vsub.f32 v6, v13  }
0x117: {  	v12 =	vcvt.s32.f32 v12;
	v0 =	vmul.f32 v4, v0;
	v7 =	vadd.s32 v2, v7  }
0x118: {  	v3 =	vadd.f32 v3, v8;
	v1 =	vadd.f32 v1, v11;
	v4 =	vadd.s32 v10, v7  }
0x119: {  	v0 =	vadd.f32 v0, v5;
	v7 =	vadd.s32 $0x21, v4;
	v8 =	vadd.s32 $0x441, v4  }
0x11a: {  	v10 =	vadd.s32 $0x8C68, v4;
	v11 =	vadd.s32 $0x8C89, v4;
	v5 =	vsub.f32 $1.000000000e+00, v6;
	[tilespmem:s8+$0x1C980] =	vst v3  }
0x11b: {  	v13 =	vadd.s32 $0x90A9, v4;
	v14 =	vadd.s32 $0x118D0, v4;
	v3 =	vadd.s32 $0x90CA, v4;
	[tilespmem:s8+$0x1CD80] =	vst v0  }
0x11c: {  	v0 =	vsub.f32 v15, v12;
	v12 =	vadd.s32 $0x118F1, v4;
	v15 =	vadd.s32 $0x11D32, v4;
	[tilespmem:s8+$0x1D180] =	vst v1;
	s8 =	smov.u32 s9  }
0x11d: {  	v16 =	vcvt.s32.f32 v2;
	v18 =	vadd.s32 $0x11D11, v4;
	v17 =	vld.idx.msk [tilespmem:v4+s4+$0x0], $0xffff  }
0x11e: {  	v19 =	vsub.f32 $1.000000000e+00, v0;
	v7 =	vld.idx.msk [tilespmem:v7+s4+$0x0], $0xffff  }
0x11f: {  	v20 =	vadd.s32 $0x462, v4;
	v11 =	vld.idx.msk [tilespmem:v11+s4+$0x0], $0xffff  }
0x120: {  	v1 =	vmul.f32 v5, v19;
	v3 =	vld.idx.msk [tilespmem:v3+s4+$0x0], $0xffff  }
0x121: {  	v21 =	vmul.f32 v5, v0;
	v22 =	vld.idx.msk [tilespmem:v8+s4+$0x0], $0xffff  }
0x122: {  	v2 =	vmul.f32 v6, v0;
	v18 =	vld.idx.msk [tilespmem:v18+s4+$0x0], $0xffff  }
0x123: {  	v4 =	vmul.f32 v6, v19;
	v0 =	vshll.u32 v17, $0x10;
	v8 =	vmul.f32 v17, v1;
	v10 =	vld.idx.msk [tilespmem:v10+s4+$0x0], $0xffff  }
0x124: {  	v5 =	vshll.u32 v7, $0x10;
	v7 =	vmul.f32 v7, v21;
	v6 =	vmul.f32 v0, v1;
	v17 =	vld.idx.msk [tilespmem:v12+s4+$0x0], $0xffff  }
0x125: {  	v0 =	vshll.u32 v11, $0x10;
	v12 =	vmul.f32 v5, v21;
	v23 =	vmul.f32 v11, v21;
	v19 =	vld.idx.msk [tilespmem:v20+s4+$0x0], $0xffff  }
0x126: {  	v11 =	vshll.u32 v3, $0x10;
	v5 =	vmul.f32 v3, v2;
	v20 =	vmul.f32 v0, v21  }
0x127: {  	v0 =	vsub.f32 v9, v16;
	v3 =	vadd.f32 v12, v6;
	v6 =	vmul.f32 v11, v2;
	v24 =	vld.idx.msk [tilespmem:v15+s4+$0x0], $0xffff  }
0x128: {  	v8 =	vadd.f32 v7, v8;
	v7 =	vmul.f32 v22, v4;
	v12 =	vmul.f32 v18, v4  }
0x129: {  	v9 =	vshll.u32 v22, $0x10;
	v11 =	vshll.u32 v10, $0x10;
	v16 =	vld.idx.msk [tilespmem:v14+s4+$0x0], $0xffff;
	v14 =	vmul.f32 v10, v1  }
.Ltmp3:
0x12a: {  	v22 =	vshll.u32 v17, $0x10;
	v10 =	vmul.f32 v9, v4;
	v15 =	vld.idx.msk [tilespmem:v13+s4+$0x0], $0xffff;
	v13 =	vmul.f32 v17, v21;
	(pc) =	sbr.rel @p0 .LBB2_5-.Ltmp3, $4  }
0x12b: {  	v9 =	vshll.u32 v18, $0x10;
	v18 =	vmul.f32 v11, v1;
	v17 =	vmul.f32 v19, v2  }
0x12c: {  	v25 =	vshll.u32 v19, $0x10;
	v11 =	vmul.f32 v22, v21;
	v9 =	vmul.f32 v9, v4  }
0x12d: {  	s9 =	sshra.s32 s11, $0x2;
	v19 =	vadd.f32 v17, v7;
	v7 =	vadd.f32 v20, v18;
	v21 =	vmul.f32 v24, v2  }
0x12e: {  	v14 =	vadd.f32 v23, v14;
	v18 =	vshll.u32 v24, $0x10;
	v20 =	vmul.f32 v25, v2;
	v17 =	vld [tilespmem:s9+$0x1B580]  }
0x12f: {  	v23 =	vshll.u32 v16, $0x10;
	v55 =	vmul.f32 v16, v1;
	v12 =	vadd.f32 v21, v12  }
0x130: {  	v22 =	vld [tilespmem:s9+$0x1B980];
	v24 =	vshll.u32 v15, $0x10;
	v57 =	vmul.f32 v15, v4;
	v8 =	vadd.f32 v8, v19  }
0x131: {  	v56 =	vld [tilespmem:s9+$0x1B180];
	v2 =	vmul.f32 v18, v2;
	v58 =	vmul.f32 v24, v4;
	v10 =	vadd.f32 v20, v10  }
0x132: {  	v59 =	vmul.f32 v23, v1;
	v13 =	vadd.f32 v13, v55;
	v5 =	vadd.f32 v5, v57  }
0x133: {  	v2 =	vadd.f32 v2, v9;
	v4 =	vadd.f32 v6, v58  }
0x134: {  	v1 =	vadd.f32 v11, v59;
	v3 =	vadd.f32 v10, v3;
	v60 =	vmul.f32 $3.199996760e+01, v17  }
0x135: {  	v62 =	vadd.f32 v12, v13;
	v5 =	vadd.f32 v5, v14;
	v61 =	vmul.f32 $3.199996760e+01, v22  }
0x136: {  	v63 =	vmul.f32 $3.199996760e+01, v56;
	v4 =	vadd.f32 v4, v7;
	v21 =	vtrunc.f32 v60  }
0x137: {  	v1 =	vadd.f32 v2, v1;
	v22 =	vtrunc.f32 v61;
	v23 =	vcvt.f32.s32 v21  }
0x138: {  	v3 =	vsub.f32 v3, v8;
	v25 =	vtrunc.f32 v63;
	v24 =	vcvt.f32.s32 v22  }
0x139: {  	v4 =	vsub.f32 v4, v5;
	v2 =	vcvt.f32.s32 v25;
	v26 =	vmul.u32 $0x21, v23  }
0x13a: {  	v1 =	vsub.f32 v1, v62;
	v3 =	vmul.f32 v3, v0;
	v13 =	vmul.u32 $0x441, v24  }
0x13b: {  	v4 =	vmul.f32 v4, v0;
	v7 =	vadd.s32 v2, v26  }
0x13c: {  	v27 =	vmul.f32 v1, v0;
	v3 =	vadd.f32 v3, v8;
	v28 =	vadd.s32 v13, v7  }
0x13d: {  	v4 =	vadd.f32 v4, v5;
	v7 =	vadd.s32 $0x21, v28  }
0x13e: {  	v0 =	vadd.f32 v27, v62;
	[tilespmem:s8+$0x1C980] =	vst v3;
	v29 =	vadd.s32 $0x8C89, v28  }
0x13f: {  	v32 =	vadd.s32 $0x90CA, v28;
	[tilespmem:s8+$0x1CD80] =	vst v4  }
0x140: {  	v33 =	vadd.s32 $0x441, v28;
	[tilespmem:s8+$0x1D180] =	vst v0  }
0x141: {  	v37 =	vadd.s32 $0x11D11, v28;
	v36 =	vld.idx.msk [tilespmem:v28+s4+$0x0], $0xffff  }
0x142: {  	v31 =	vcvt.s32.f32 v23;
	v30 =	vcvt.s32.f32 v24;
	v38 =	vadd.s32 $0x8C68, v28;
	v7 =	vld.idx.msk [tilespmem:v7+s4+$0x0], $0xffff  }
0x143: {  	v13 =	vadd.s32 $0x118F1, v28;
	v5 =	vld.idx.msk [tilespmem:v29+s4+$0x0], $0xffff  }
0x144: {  	v35 =	vsub.f32 v60, v31;
	v34 =	vsub.f32 v61, v30;
	v42 =	vadd.s32 $0x462, v28;
	v10 =	vld.idx.msk [tilespmem:v32+s4+$0x0], $0xffff  }
0x145: {  	v1 =	vadd.s32 $0x11D32, v28;
	v4 =	vld.idx.msk [tilespmem:v33+s4+$0x0], $0xffff  }
0x146: {  	v40 =	vsub.f32 $1.000000000e+00, v35;
	v43 =	vadd.s32 $0x118D0, v28;
	v39 =	vsub.f32 $1.000000000e+00, v34;
	v8 =	vld.idx.msk [tilespmem:v37+s4+$0x0], $0xffff  }
0x147: {  	v2 =	vcvt.s32.f32 v2;
	v41 =	vadd.s32 $0x90A9, v28;
	v11 =	vld.idx.msk [tilespmem:v38+s4+$0x0], $0xffff  }
0x148: {  	v3 =	vmul.f32 v34, v35;
	v44 =	vmul.f32 v39, v40;
	v13 =	vld.idx.msk [tilespmem:v13+s4+$0x0], $0xffff  }
0x149: {  	v2 =	vsub.f32 v63, v2;
	v0 =	vmul.f32 v34, v40;
	v12 =	vmul.f32 v39, v35;
	v16 =	vld.idx.msk [tilespmem:v42+s4+$0x0], $0xffff  }
0x14a: {  	v1 =	vld.idx.msk [tilespmem:v1+s4+$0x0], $0xffff;
	v45 =	vshll.u32 v36, $0x10;
	v6 =	vmul.f32 v36, v44;
	v46 =	vshll.u32 v7, $0x10  }
0x14b: {  	v17 =	vld.idx.msk [tilespmem:v43+s4+$0x0], $0xffff;
	v7 =	vmul.f32 v7, v12;
	v14 =	vmul.f32 v45, v44;
	v47 =	vshll.u32 v5, $0x10  }
0x14c: {  	v15 =	vld.idx.msk [tilespmem:v41+s4+$0x0], $0xffff;
	v5 =	vmul.f32 v5, v12;
	v48 =	vshll.u32 v10, $0x10;
	v10 =	vmul.f32 v10, v3  }
0x14d: {  	v51 =	vmul.f32 v4, v0;
	v52 =	vmul.f32 v8, v0;
	v4 =	vshll.u32 v4, $0x10  }
0x14e: {  	v53 =	vshll.u32 v11, $0x10;
	v11 =	vmul.f32 v11, v44;
	v54 =	vshll.u32 v13, $0x10  }
0x14f: {  	v13 =	vmul.f32 v13, v12;
	v55 =	vmul.f32 v16, v3;
	v8 =	vshll.u32 v8, $0x10  }
0x150: {  	v56 =	vmul.f32 v1, v3;
	v57 =	vshll.u32 v17, $0x10;
	v17 =	vmul.f32 v17, v44  }
0x151: {  	v16 =	vshll.u32 v16, $0x10;
	v59 =	vmul.f32 v15, v0;
	v19 =	vmul.f32 v46, v12  }
0x152: {  	v1 =	vshll.u32 v1, $0x10;
	v20 =	vmul.f32 v47, v12;
	v50 =	vmul.f32 v48, v3  }
0x153: {  	v58 =	vshll.u32 v15, $0x10;
	v4 =	vmul.f32 v4, v0;
	v21 =	vmul.f32 v53, v44  }
0x154: {  	v12 =	vmul.f32 v54, v12;
	v8 =	vmul.f32 v8, v0;
	v6 =	vadd.f32 v7, v6  }
0x155: {  	v16 =	vmul.f32 v16, v3;
	v7 =	vadd.f32 v55, v51;
	v5 =	vadd.f32 v5, v11  }
0x156: {  	v0 =	vmul.f32 v58, v0;
	v13 =	vadd.f32 v13, v17;
	v49 =	vadd.f32 v19, v14  }
0x157: {  	v1 =	vmul.f32 v1, v3;
	v20 =	vadd.f32 v20, v21;
	v19 =	vadd.f32 v56, v52  }
0x158: {  	v11 =	vmul.f32 v57, v44;
	v4 =	vadd.f32 v16, v4;
	v0 =	vadd.f32 v50, v0  }
0x159: {  	v1 =	vadd.f32 v1, v8;
	v6 =	vadd.f32 v6, v7  }
0x15a: {  	v7 =	vadd.f32 v10, v59;
	v60 =	vadd.f32 v12, v11  }
0x15b: {  	v61 =	vadd.f32 v19, v13;
	v4 =	vadd.f32 v4, v49  }
0x15c: {  	v0 =	vadd.f32 v0, v20;
	v5 =	vadd.f32 v7, v5  }
0x15d: {  	v1 =	vadd.f32 v1, v60;
	v62 =	vsub.f32 v4, v6  }
0x15e: {  	v0 =	vsub.f32 v0, v5  }
0x15f: {  	v1 =	vsub.f32 v1, v61;
	v3 =	vmul.f32 v62, v2  }
0x160: {  	v0 =	vmul.f32 v0, v2  }
0x161: {  	s11 =	sor.u32 $0x400, s17;
	v1 =	vmul.f32 v1, v2;
	v63 =	vadd.f32 v3, v6  }
0x162: {  	s8 =	ssub.s32 s11, s16;
	v0 =	vadd.f32 v0, v5  }
0x163: {  	s8 =	sadd.s32 s15, s8;
	v1 =	vadd.f32 v1, v61;
	[tilespmem:s9+$0x1C980] =	vst v63  }
0x164: {  	s10 =	sshrl.u32 s8, $0x3;
	[tilespmem:s9+$0x1CD80] =	vst v0  }
0x165: {  	s17 =	sadd.s32 $0x40000, s8;
	s16 =	sadd.s32 s6, s10;
	[tilespmem:s9+$0x1D180] =	vst v1  }
0x166: {  	[hbm4b:s16+s4] =	stream.linear.scatter [tilespmem:s26], [sflag:$0x4], $0x400, $0x38;
	[tilespmem:$0x1D580] =	vst v63  }
.Ltmp4:
0x167: {  	s8 =	sadd.s32 $0x80000, s8;
	s9 =	sshrl.u32 s17, $0x3;
	(pc) =	sbr.rel @p1 .LBB2_8-.Ltmp4, $4  }
0x168: {  	s8 =	sshrl.u32 s8, $0x3;
	s9 =	sadd.s32 s6, s9  }
0x169: {  	[hbm4b:s9+s4] =	stream.linear.scatter [tilespmem:s28], [sflag:$0x4], $0x400, $0x38;
	[tilespmem:$0x1D580] =	vst v63  }
0x16a: {  	s8 =	sadd.s32 s6, s8  }
0x16b: {  	[hbm4b:s8+s4] =	stream.linear.scatter [tilespmem:s29], [sflag:$0x4], $0x400, $0x38;
	[tilespmem:$0x1D580] =	vst v63  }
0x16c: {  	s1 =	sadd.s32 $0x3, s1  }
0x16d: {  	s8 =	sshrl.u32 s1, $0x3  }
0x16e: {  	s9 =	smul.u32 $0xC0000, s8  }
0x16f: {  	s1 =	sshll.u32 s1, $0xA;
	s8 =	sshll.u32 s8, $0xD  }
0x170: {  	s1 =	ssub.s32 s1, s8;
	s9 =	sor.u32 s5, s9  }
0x171: {  	s1 =	sadd.s32 s1, s9  }
0x172: {  	s16 =	sshrl.u32 s1, $0x3  }
0x173: {  	s17 =	sadd.s32 $0x40000, s1;
	s8 =	sadd.s32 s3, s16  }
0x174: {  	[tilespmem:s18], [sflag:$0x2] =	stream.linear.gather [hbm4b:s8+s4], $0x400, $0x38;
	[tilespmem:$0x1D580] =	vst v63  }
.Ltmp5:
0x175: {  	s1 =	sadd.s32 $0x80000, s1;
	s8 =	sshrl.u32 s17, $0x3;
	(pc) =	sbr.rel .LBB2_2-.Ltmp5, $4  }
0x176: {  	s1 =	sshrl.u32 s1, $0x3;
	s8 =	sadd.s32 s3, s8  }
0x177: {  	[tilespmem:s19], [sflag:$0x2] =	stream.linear.gather [hbm4b:s8+s4], $0x400, $0x38;
	[tilespmem:$0x1D580] =	vst v63  }
0x178: {  	s2 =	sadd.s32 $0x1, s2;
	s1 =	sadd.s32 s3, s1  }
0x179: {  	[tilespmem:s20], [sflag:$0x2] =	stream.linear.gather [hbm4b:s1+s4], $0x400, $0x38;
	[tilespmem:$0x1D580] =	vst v63  }
.LBB2_9:
0x17a: {  	_ =	sfence.sel $0x180000  }
0x17b: {  	[bflag:$0x0] =	sbarrier.arrive $0xFFFF  }
0x17c: {  	_ =	strace $0x90000047  }
0x17d: {  	s0 =	stileid.u32;
	[bflag:$0x2] =	sbarrier.arrive $0xFFFF  }
0x17e: {  	p0 =	sne.s32 s0, $0x0;
	s0 =	rddreg [dreg:$0x3]  }
0x17f: {  	s0 =	sadd.s32 @!p0 $0x100000, s0  }
0x180: {  	[sflag:s0] =	ssyncadd.tile.s32 @!p0 $0x1;
	_ =	shalt  }
.Lfunc_end2:
_tile_overlayer_lowered:
.L_overlay_start_2:
0x181: {  	(tag) =	ssettag $0x2  }
0x182: {  	s0 =	rddreg [dreg:$0x0];
	s2 =	stileid.u32  }
0x183: {  	s1 =	rddreg [dreg:$0x1];
	p0 =	sne.s32 s2, $0x0  }
0x184: {  	s3 =	rddreg [dreg:$0x2];
	[bflag:$0x3] =	sbarrier.arrive $0xFFFF;
	s2 =	simm.s32 @!p0 $0x1C05  }
0x185: {  	[timem:s3], [sflag:s2] =	dma.local @!p0 [hbm:s0], s1  }
0x186: {  	s0 =	simm.s32 @!p0 $0x5  }
0x187: {  	_ =	swait.ge @!p0 [sflag:s0], s1  }
0x188: {  	s1 =	ssub.s32 @!p0 $0x0, s1;
	[sflag:s0] =	ssyncset.done @!p0 $0x0  }
0x189: {  	[sflag:s0] =	ssyncadd.s32 @!p0 s1  }
0x18a: {  	[bflag:$0x3] =	sbarrier.arrive $0xFFFF  }
0x18b: {  	_ =	shalt  }

</sc_bundles>
